<compile_context>
chip_gen: v7x
topology: tpu7x:2x2x1
jax: 0.10.2.dev20260603
libtpu: 0.0.44.dev20260713+nightly
codegen_flags: <defaults>
</compile_context>

<pallas_src>
import functools
import jax
import jax.numpy as jnp
from jax import lax
from jax.experimental import pallas as pl
from jax.experimental.pallas import tpu as pltpu, tpu_sc as plsc

_NUM_CLASSES = 1000
_FEAT = 100
_OUT_COLS = _NUM_CLASSES + _FEAT
_CHUNK = 32


def kernel(x):
    batch, feat = x.shape
    info = plsc.get_sparse_core_info()
    nc, ns = info.num_cores, info.num_subcores
    nw = nc * ns
    rows_per_w = batch // nw
    nchunks = rows_per_w // _CHUNK
    mesh = plsc.VectorSubcoreMesh(core_axis_name="c", subcore_axis_name="s",
                                  num_cores=nc)

    @functools.partial(
        pl.kernel,
        mesh=mesh,
        compiler_params=pltpu.CompilerParams(use_tc_tiling_on_sc=False,
                                             needs_layout_passes=False),
        out_type=jax.ShapeDtypeStruct((batch, _OUT_COLS), jnp.float32),
        scratch_types=[
            pltpu.VMEM((_CHUNK, _OUT_COLS), jnp.float32),
            pltpu.VMEM((_CHUNK, _OUT_COLS), jnp.float32),
            pltpu.VMEM((_CHUNK,), jnp.int32),
            pltpu.VMEM((_CHUNK,), jnp.int32),
            pltpu.SemaphoreType.DMA,
            pltpu.SemaphoreType.DMA,
        ],
    )
    def run(x_hbm, out_hbm, buf0, buf1, sel0, sel1, sem0, sem1):
        wid = lax.axis_index("s") * nc + lax.axis_index("c")
        base = wid * rows_per_w
        iota16 = lax.iota(jnp.int32, 16)
        zeros_f = jnp.zeros((16,), jnp.float32)
        ones_f = jnp.ones((16,), jnp.float32)
        zeros_i = jnp.zeros((16,), jnp.int32)
        col0 = jnp.full((16,), _NUM_CLASSES, jnp.int32)

        def zrow(r, carry):
            for c in range(63):
                buf0[r, pl.ds(c * 16, 16)] = zeros_f
                buf1[r, pl.ds(c * 16, 16)] = zeros_f
            return carry
        lax.fori_loop(0, _CHUNK, zrow, 0)
        for j in range(_CHUNK // 16):
            sel0[pl.ds(j * 16, 16)] = zeros_i
            sel1[pl.ds(j * 16, 16)] = zeros_i

        def chunk(ci, buf, sel_ref, sem, do_wait):
            rowbase = base + ci * _CHUNK
            dst = out_hbm.at[pl.ds(rowbase, _CHUNK), :]
            if do_wait:
                pltpu.make_async_copy(buf, dst, sem).wait()
            for j in range(_CHUNK // 16):
                rows = iota16 + (j * 16)
                prev = sel_ref[pl.ds(j * 16, 16)]
                plsc.store_scatter(buf, [rows, prev], zeros_f)
            pltpu.sync_copy(x_hbm.at[pl.ds(rowbase, _CHUNK), :],
                            buf.at[:, pl.ds(_NUM_CLASSES, feat)])
            for j in range(_CHUNK // 16):
                rows = iota16 + (j * 16)
                vals = plsc.load_gather(buf, [rows, col0])
                sel = vals.astype(jnp.int32)
                sel_ref[pl.ds(j * 16, 16)] = sel
                plsc.store_scatter(buf, [rows, sel], ones_f)
            pltpu.make_async_copy(buf, dst, sem).start()

        chunk(0, buf0, sel0, sem0, False)
        chunk(1, buf1, sel1, sem1, False)

        def loop_body(g, carry):
            chunk(2 * g, buf0, sel0, sem0, True)
            chunk(2 * g + 1, buf1, sel1, sem1, True)
            return carry
        lax.fori_loop(1, nchunks // 2, loop_body, 0)

        last0 = base + (nchunks - 2) * _CHUNK
        last1 = base + (nchunks - 1) * _CHUNK
        pltpu.make_async_copy(buf0, out_hbm.at[pl.ds(last0, _CHUNK), :], sem0).wait()
        pltpu.make_async_copy(buf1, out_hbm.at[pl.ds(last1, _CHUNK), :], sem1).wait()

    return run(x)

# --- scband reference (transcript-rebuilt; emitter-appended) ---
"""Pipeline reference for scband-one-hot-concat-module-25168508355232 (READ-ONLY COPY).

The authoritative reference and input builder live on the scoring server;
editing this copy changes nothing except your own understanding.
"""

import jax, jax.numpy as jnp
import numpy as np

X_DIM = 0
NUM_CLASSES = 1000

def setup_inputs(seed: int = 0) -> dict:
    key = jax.random.key(seed)
    x = jax.random.uniform(key, (16384, 100), dtype=jnp.float32)
    return {"x": x}

def reference(x):
    batch_size = x.shape[0]
    feature_dim = x.shape[1]
    if X_DIM < 0 or X_DIM >= feature_dim:
        raise ValueError(f'Invalid x_dim. Must be in the range [0, {feature_dim - 1}]')
    selected_feature = x[:, X_DIM].astype(jnp.int32)
    one_hot = jnp.zeros((batch_size, NUM_CLASSES), dtype=x.dtype)
    one_hot = one_hot.at[jnp.arange(batch_size), selected_feature].set(1.0)
    x_concat = jnp.concatenate([one_hot, x], axis=1)
    return x_concat

if __name__ == "__main__":
    import jax
    _d = setup_inputs()
    print(jax.jit(kernel)(*tuple(_d.values())))

</pallas_src>

<mosaic_0001>
#map = affine_map<(d0, d1) -> (0, 0)>
module attributes {stable_mosaic.version = 14 : i64} {
  func.func @run(%arg0: i32, %arg1: i32, %arg2: memref<16384x100xf32, #tpu.memory_space<hbm>>, %arg3: memref<16384x1100xf32, #tpu.memory_space<hbm>>, %arg4: memref<32x1100xf32, #tpu.memory_space<vmem>>, %arg5: memref<32x1100xf32, #tpu.memory_space<vmem>>, %arg6: memref<32xi32, #tpu.memory_space<vmem>>, %arg7: memref<32xi32, #tpu.memory_space<vmem>>, %arg8: memref<!tpu.dma_semaphore, #tpu.memory_space<semaphore_mem>>, %arg9: memref<!tpu.dma_semaphore, #tpu.memory_space<semaphore_mem>>) attributes {dimension_semantics = [#tpu.dimension_semantics<core_parallel>, #tpu.dimension_semantics<subcore_parallel>], iteration_bounds = array<i64: 2, 16>, scalar_prefetch = 0 : i64, scratch_operands = 6 : i64, tpu.core_type = #tpu.core_type<sc_vector_subcore>, window_params = [{transform_indices = #map}, {transform_indices = #map}]} {
    %mul3A = arith.constant 2 : i32
    %mul3A_0 = arith.muli %arg1, %mul3A : i32
    %add3A = arith.addi %mul3A_0, %arg0 : i32
    %mul3A_1 = arith.constant 512 : i32
    %mul3A_2 = arith.muli %add3A, %mul3A_1 : i32
    %iota3A = tpu.iota {dimensions = array<i32: 0>} : vector<16xi32>
    %broadcast_in_dim3A = arith.constant 0.000000e+00 : f32
    %broadcast_in_dim3A_3 = vector.broadcast %broadcast_in_dim3A : f32 to vector<16xf32>
    %broadcast_in_dim3A_4 = arith.constant 1.000000e+00 : f32
    %broadcast_in_dim3A_5 = vector.broadcast %broadcast_in_dim3A_4 : f32 to vector<16xf32>
    %broadcast_in_dim3A_6 = arith.constant 0 : i32
    %broadcast_in_dim3A_7 = vector.broadcast %broadcast_in_dim3A_6 : i32 to vector<16xi32>
    %broadcast_in_dim3A_8 = arith.constant 1000 : i32
    %broadcast_in_dim3A_9 = vector.broadcast %broadcast_in_dim3A_8 : i32 to vector<16xi32>
    %scan3A = arith.constant 0 : i32
    %scan3A_10 = arith.constant 0 : i32
    %scan3A_11 = arith.constant 32 : i32
    %scan3A_12 = arith.addi %scan3A_10, %scan3A_11 : i32
    %scan3A_13 = arith.constant 1 : i32
    scf.for %scan3A_95 = %scan3A_10 to %scan3A_12 step %scan3A_13  : i32 {
      %swap3A_96 = arith.index_cast %scan3A_95 : i32 to index
      %swap3A_97 = arith.constant 0 : index
      %swap3A_98 = tpu.vector_load %arg4[%swap3A_96, %swap3A_97] {strides = array<i32>} : memref<32x1100xf32, #tpu.memory_space<vmem>>, vector<16xf32>,
      tpu.vector_store %arg4[%swap3A_96, %swap3A_97], %broadcast_in_dim3A_3 {strides = array<i32>} : memref<32x1100xf32, #tpu.memory_space<vmem>>, vector<16xf32>,
      %swap3A_99 = arith.index_cast %scan3A_95 : i32 to index
      %swap3A_100 = arith.constant 0 : index
      %swap3A_101 = tpu.vector_load %arg5[%swap3A_99, %swap3A_100] {strides = array<i32>} : memref<32x1100xf32, #tpu.memory_space<vmem>>, vector<16xf32>,
      tpu.vector_store %arg5[%swap3A_99, %swap3A_100], %broadcast_in_dim3A_3 {strides = array<i32>} : memref<32x1100xf32, #tpu.memory_space<vmem>>, vector<16xf32>,
      %swap3A_102 = arith.index_cast %scan3A_95 : i32 to index
      %swap3A_103 = arith.constant 16 : index
      %swap3A_104 = tpu.vector_load %arg4[%swap3A_102, %swap3A_103] {strides = array<i32>} : memref<32x1100xf32, #tpu.memory_space<vmem>>, vector<16xf32>,
      tpu.vector_store %arg4[%swap3A_102, %swap3A_103], %broadcast_in_dim3A_3 {strides = array<i32>} : memref<32x1100xf32, #tpu.memory_space<vmem>>, vector<16xf32>,
      %swap3A_105 = arith.index_cast %scan3A_95 : i32 to index
      %swap3A_106 = arith.constant 16 : index
      %swap3A_107 = tpu.vector_load %arg5[%swap3A_105, %swap3A_106] {strides = array<i32>} : memref<32x1100xf32, #tpu.memory_space<vmem>>, vector<16xf32>,
      tpu.vector_store %arg5[%swap3A_105, %swap3A_106], %broadcast_in_dim3A_3 {strides = array<i32>} : memref<32x1100xf32, #tpu.memory_space<vmem>>, vector<16xf32>,
      %swap3A_108 = arith.index_cast %scan3A_95 : i32 to index
      %swap3A_109 = arith.constant 32 : index
      %swap3A_110 = tpu.vector_load %arg4[%swap3A_108, %swap3A_109] {strides = array<i32>} : memref<32x1100xf32, #tpu.memory_space<vmem>>, vector<16xf32>,
      tpu.vector_store %arg4[%swap3A_108, %swap3A_109], %broadcast_in_dim3A_3 {strides = array<i32>} : memref<32x1100xf32, #tpu.memory_space<vmem>>, vector<16xf32>,
      %swap3A_111 = arith.index_cast %scan3A_95 : i32 to index
      %swap3A_112 = arith.constant 32 : index
      %swap3A_113 = tpu.vector_load %arg5[%swap3A_111, %swap3A_112] {strides = array<i32>} : memref<32x1100xf32, #tpu.memory_space<vmem>>, vector<16xf32>,
      tpu.vector_store %arg5[%swap3A_111, %swap3A_112], %broadcast_in_dim3A_3 {strides = array<i32>} : memref<32x1100xf32, #tpu.memory_space<vmem>>, vector<16xf32>,
      %swap3A_114 = arith.index_cast %scan3A_95 : i32 to index
      %swap3A_115 = arith.constant 48 : index
      %swap3A_116 = tpu.vector_load %arg4[%swap3A_114, %swap3A_115] {strides = array<i32>} : memref<32x1100xf32, #tpu.memory_space<vmem>>, vector<16xf32>,
      tpu.vector_store %arg4[%swap3A_114, %swap3A_115], %broadcast_in_dim3A_3 {strides = array<i32>} : memref<32x1100xf32, #tpu.memory_space<vmem>>, vector<16xf32>,
      %swap3A_117 = arith.index_cast %scan3A_95 : i32 to index
      %swap3A_118 = arith.constant 48 : index
      %swap3A_119 = tpu.vector_load %arg5[%swap3A_117, %swap3A_118] {strides = array<i32>} : memref<32x1100xf32, #tpu.memory_space<vmem>>, vector<16xf32>,
      tpu.vector_store %arg5[%swap3A_117, %swap3A_118], %broadcast_in_dim3A_3 {strides = array<i32>} : memref<32x1100xf32, #tpu.memory_space<vmem>>, vector<16xf32>,
      %swap3A_120 = arith.index_cast %scan3A_95 : i32 to index
      %swap3A_121 = arith.constant 64 : index
      %swap3A_122 = tpu.vector_load %arg4[%swap3A_120, %swap3A_121] {strides = array<i32>} : memref<32x1100xf32, #tpu.memory_space<vmem>>, vector<16xf32>,
      tpu.vector_store %arg4[%swap3A_120, %swap3A_121], %broadcast_in_dim3A_3 {strides = array<i32>} : memref<32x1100xf32, #tpu.memory_space<vmem>>, vector<16xf32>,
      %swap3A_123 = arith.index_cast %scan3A_95 : i32 to index
      %swap3A_124 = arith.constant 64 : index
      %swap3A_125 = tpu.vector_load %arg5[%swap3A_123, %swap3A_124] {strides = array<i32>} : memref<32x1100xf32, #tpu.memory_space<vmem>>, vector<16xf32>,
      tpu.vector_store %arg5[%swap3A_123, %swap3A_124], %broadcast_in_dim3A_3 {strides = array<i32>} : memref<32x1100xf32, #tpu.memory_space<vmem>>, vector<16xf32>,
      %swap3A_126 = arith.index_cast %scan3A_95 : i32 to index
      %swap3A_127 = arith.constant 80 : index
      %swap3A_128 = tpu.vector_load %arg4[%swap3A_126, %swap3A_127] {strides = array<i32>} : memref<32x1100xf32, #tpu.memory_space<vmem>>, vector<16xf32>,
      tpu.vector_store %arg4[%swap3A_126, %swap3A_127], %broadcast_in_dim3A_3 {strides = array<i32>} : memref<32x1100xf32, #tpu.memory_space<vmem>>, vector<16xf32>,
      %swap3A_129 = arith.index_cast %scan3A_95 : i32 to index
      %swap3A_130 = arith.constant 80 : index
      %swap3A_131 = tpu.vector_load %arg5[%swap3A_129, %swap3A_130] {strides = array<i32>} : memref<32x1100xf32, #tpu.memory_space<vmem>>, vector<16xf32>,
      tpu.vector_store %arg5[%swap3A_129, %swap3A_130], %broadcast_in_dim3A_3 {strides = array<i32>} : memref<32x1100xf32, #tpu.memory_space<vmem>>, vector<16xf32>,
      %swap3A_132 = arith.index_cast %scan3A_95 : i32 to index
      %swap3A_133 = arith.constant 96 : index
      %swap3A_134 = tpu.vector_load %arg4[%swap3A_132, %swap3A_133] {strides = array<i32>} : memref<32x1100xf32, #tpu.memory_space<vmem>>, vector<16xf32>,
      tpu.vector_store %arg4[%swap3A_132, %swap3A_133], %broadcast_in_dim3A_3 {strides = array<i32>} : memref<32x1100xf32, #tpu.memory_space<vmem>>, vector<16xf32>,
      %swap3A_135 = arith.index_cast %scan3A_95 : i32 to index
      %swap3A_136 = arith.constant 96 : index
      %swap3A_137 = tpu.vector_load %arg5[%swap3A_135, %swap3A_136] {strides = array<i32>} : memref<32x1100xf32, #tpu.memory_space<vmem>>, vector<16xf32>,
      tpu.vector_store %arg5[%swap3A_135, %swap3A_136], %broadcast_in_dim3A_3 {strides = array<i32>} : memref<32x1100xf32, #tpu.memory_space<vmem>>, vector<16xf32>,
      %swap3A_138 = arith.index_cast %scan3A_95 : i32 to index
      %swap3A_139 = arith.constant 112 : index
      %swap3A_140 = tpu.vector_load %arg4[%swap3A_138, %swap3A_139] {strides = array<i32>} : memref<32x1100xf32, #tpu.memory_space<vmem>>, vector<16xf32>,
      tpu.vector_store %arg4[%swap3A_138, %swap3A_139], %broadcast_in_dim3A_3 {strides = array<i32>} : memref<32x1100xf32, #tpu.memory_space<vmem>>, vector<16xf32>,
      %swap3A_141 = arith.index_cast %scan3A_95 : i32 to index
      %swap3A_142 = arith.constant 112 : index
      %swap3A_143 = tpu.vector_load %arg5[%swap3A_141, %swap3A_142] {strides = array<i32>} : memref<32x1100xf32, #tpu.memory_space<vmem>>, vector<16xf32>,
      tpu.vector_store %arg5[%swap3A_141, %swap3A_142], %broadcast_in_dim3A_3 {strides = array<i32>} : memref<32x1100xf32, #tpu.memory_space<vmem>>, vector<16xf32>,
      %swap3A_144 = arith.index_cast %scan3A_95 : i32 to index
      %swap3A_145 = arith.constant 128 : index
      %swap3A_146 = tpu.vector_load %arg4[%swap3A_144, %swap3A_145] {strides = array<i32>} : memref<32x1100xf32, #tpu.memory_space<vmem>>, vector<16xf32>,
      tpu.vector_store %arg4[%swap3A_144, %swap3A_145], %broadcast_in_dim3A_3 {strides = array<i32>} : memref<32x1100xf32, #tpu.memory_space<vmem>>, vector<16xf32>,
      %swap3A_147 = arith.index_cast %scan3A_95 : i32 to index
      %swap3A_148 = arith.constant 128 : index
      %swap3A_149 = tpu.vector_load %arg5[%swap3A_147, %swap3A_148] {strides = array<i32>} : memref<32x1100xf32, #tpu.memory_space<vmem>>, vector<16xf32>,
      tpu.vector_store %arg5[%swap3A_147, %swap3A_148], %broadcast_in_dim3A_3 {strides = array<i32>} : memref<32x1100xf32, #tpu.memory_space<vmem>>, vector<16xf32>,
      %swap3A_150 = arith.index_cast %scan3A_95 : i32 to index
      %swap3A_151 = arith.constant 144 : index
      %swap3A_152 = tpu.vector_load %arg4[%swap3A_150, %swap3A_151] {strides = array<i32>} : memref<32x1100xf32, #tpu.memory_space<vmem>>, vector<16xf32>,
      tpu.vector_store %arg4[%swap3A_150, %swap3A_151], %broadcast_in_dim3A_3 {strides = array<i32>} : memref<32x1100xf32, #tpu.memory_space<vmem>>, vector<16xf32>,
      %swap3A_153 = arith.index_cast %scan3A_95 : i32 to index
      %swap3A_154 = arith.constant 144 : index
      %swap3A_155 = tpu.vector_load %arg5[%swap3A_153, %swap3A_154] {strides = array<i32>} : memref<32x1100xf32, #tpu.memory_space<vmem>>, vector<16xf32>,
      tpu.vector_store %arg5[%swap3A_153, %swap3A_154], %broadcast_in_dim3A_3 {strides = array<i32>} : memref<32x1100xf32, #tpu.memory_space<vmem>>, vector<16xf32>,
      %swap3A_156 = arith.index_cast %scan3A_95 : i32 to index
      %swap3A_157 = arith.constant 160 : index
      %swap3A_158 = tpu.vector_load %arg4[%swap3A_156, %swap3A_157] {strides = array<i32>} : memref<32x1100xf32, #tpu.memory_space<vmem>>, vector<16xf32>,
      tpu.vector_store %arg4[%swap3A_156, %swap3A_157], %broadcast_in_dim3A_3 {strides = array<i32>} : memref<32x1100xf32, #tpu.memory_space<vmem>>, vector<16xf32>,
      %swap3A_159 = arith.index_cast %scan3A_95 : i32 to index
      %swap3A_160 = arith.constant 160 : index
      %swap3A_161 = tpu.vector_load %arg5[%swap3A_159, %swap3A_160] {strides = array<i32>} : memref<32x1100xf32, #tpu.memory_space<vmem>>, vector<16xf32>,
      tpu.vector_store %arg5[%swap3A_159, %swap3A_160], %broadcast_in_dim3A_3 {strides = array<i32>} : memref<32x1100xf32, #tpu.memory_space<vmem>>, vector<16xf32>,
      %swap3A_162 = arith.index_cast %scan3A_95 : i32 to index
      %swap3A_163 = arith.constant 176 : index
      %swap3A_164 = tpu.vector_load %arg4[%swap3A_162, %swap3A_163] {strides = array<i32>} : memref<32x1100xf32, #tpu.memory_space<vmem>>, vector<16xf32>,
      tpu.vector_store %arg4[%swap3A_162, %swap3A_163], %broadcast_in_dim3A_3 {strides = array<i32>} : memref<32x1100xf32, #tpu.memory_space<vmem>>, vector<16xf32>,
      %swap3A_165 = arith.index_cast %scan3A_95 : i32 to index
      %swap3A_166 = arith.constant 176 : index
      %swap3A_167 = tpu.vector_load %arg5[%swap3A_165, %swap3A_166] {strides = array<i32>} : memref<32x1100xf32, #tpu.memory_space<vmem>>, vector<16xf32>,
      tpu.vector_store %arg5[%swap3A_165, %swap3A_166], %broadcast_in_dim3A_3 {strides = array<i32>} : memref<32x1100xf32, #tpu.memory_space<vmem>>, vector<16xf32>,
      %swap3A_168 = arith.index_cast %scan3A_95 : i32 to index
      %swap3A_169 = arith.constant 192 : index
      %swap3A_170 = tpu.vector_load %arg4[%swap3A_168, %swap3A_169] {strides = array<i32>} : memref<32x1100xf32, #tpu.memory_space<vmem>>, vector<16xf32>,
      tpu.vector_store %arg4[%swap3A_168, %swap3A_169], %broadcast_in_dim3A_3 {strides = array<i32>} : memref<32x1100xf32, #tpu.memory_space<vmem>>, vector<16xf32>,
      %swap3A_171 = arith.index_cast %scan3A_95 : i32 to index
      %swap3A_172 = arith.constant 192 : index
      %swap3A_173 = tpu.vector_load %arg5[%swap3A_171, %swap3A_172] {strides = array<i32>} : memref<32x1100xf32, #tpu.memory_space<vmem>>, vector<16xf32>,
      tpu.vector_store %arg5[%swap3A_171, %swap3A_172], %broadcast_in_dim3A_3 {strides = array<i32>} : memref<32x1100xf32, #tpu.memory_space<vmem>>, vector<16xf32>,
      %swap3A_174 = arith.index_cast %scan3A_95 : i32 to index
      %swap3A_175 = arith.constant 208 : index
      %swap3A_176 = tpu.vector_load %arg4[%swap3A_174, %swap3A_175] {strides = array<i32>} : memref<32x1100xf32, #tpu.memory_space<vmem>>, vector<16xf32>,
      tpu.vector_store %arg4[%swap3A_174, %swap3A_175], %broadcast_in_dim3A_3 {strides = array<i32>} : memref<32x1100xf32, #tpu.memory_space<vmem>>, vector<16xf32>,
      %swap3A_177 = arith.index_cast %scan3A_95 : i32 to index
      %swap3A_178 = arith.constant 208 : index
      %swap3A_179 = tpu.vector_load %arg5[%swap3A_177, %swap3A_178] {strides = array<i32>} : memref<32x1100xf32, #tpu.memory_space<vmem>>, vector<16xf32>,
      tpu.vector_store %arg5[%swap3A_177, %swap3A_178], %broadcast_in_dim3A_3 {strides = array<i32>} : memref<32x1100xf32, #tpu.memory_space<vmem>>, vector<16xf32>,
      %swap3A_180 = arith.index_cast %scan3A_95 : i32 to index
      %swap3A_181 = arith.constant 224 : index
      %swap3A_182 = tpu.vector_load %arg4[%swap3A_180, %swap3A_181] {strides = array<i32>} : memref<32x1100xf32, #tpu.memory_space<vmem>>, vector<16xf32>,
      tpu.vector_store %arg4[%swap3A_180, %swap3A_181], %broadcast_in_dim3A_3 {strides = array<i32>} : memref<32x1100xf32, #tpu.memory_space<vmem>>, vector<16xf32>,
      %swap3A_183 = arith.index_cast %scan3A_95 : i32 to index
      %swap3A_184 = arith.constant 224 : index
      %swap3A_185 = tpu.vector_load %arg5[%swap3A_183, %swap3A_184] {strides = array<i32>} : memref<32x1100xf32, #tpu.memory_space<vmem>>, vector<16xf32>,
      tpu.vector_store %arg5[%swap3A_183, %swap3A_184], %broadcast_in_dim3A_3 {strides = array<i32>} : memref<32x1100xf32, #tpu.memory_space<vmem>>, vector<16xf32>,
      %swap3A_186 = arith.index_cast %scan3A_95 : i32 to index
      %swap3A_187 = arith.constant 240 : index
      %swap3A_188 = tpu.vector_load %arg4[%swap3A_186, %swap3A_187] {strides = array<i32>} : memref<32x1100xf32, #tpu.memory_space<vmem>>, vector<16xf32>,
      tpu.vector_store %arg4[%swap3A_186, %swap3A_187], %broadcast_in_dim3A_3 {strides = array<i32>} : memref<32x1100xf32, #tpu.memory_space<vmem>>, vector<16xf32>,
      %swap3A_189 = arith.index_cast %scan3A_95 : i32 to index
      %swap3A_190 = arith.constant 240 : index
      %swap3A_191 = tpu.vector_load %arg5[%swap3A_189, %swap3A_190] {strides = array<i32>} : memref<32x1100xf32, #tpu.memory_space<vmem>>, vector<16xf32>,
      tpu.vector_store %arg5[%swap3A_189, %swap3A_190], %broadcast_in_dim3A_3 {strides = array<i32>} : memref<32x1100xf32, #tpu.memory_space<vmem>>, vector<16xf32>,
      %swap3A_192 = arith.index_cast %scan3A_95 : i32 to index
      %swap3A_193 = arith.constant 256 : index
      %swap3A_194 = tpu.vector_load %arg4[%swap3A_192, %swap3A_193] {strides = array<i32>} : memref<32x1100xf32, #tpu.memory_space<vmem>>, vector<16xf32>,
      tpu.vector_store %arg4[%swap3A_192, %swap3A_193], %broadcast_in_dim3A_3 {strides = array<i32>} : memref<32x1100xf32, #tpu.memory_space<vmem>>, vector<16xf32>,
      %swap3A_195 = arith.index_cast %scan3A_95 : i32 to index
      %swap3A_196 = arith.constant 256 : index
      %swap3A_197 = tpu.vector_load %arg5[%swap3A_195, %swap3A_196] {strides = array<i32>} : memref<32x1100xf32, #tpu.memory_space<vmem>>, vector<16xf32>,
      tpu.vector_store %arg5[%swap3A_195, %swap3A_196], %broadcast_in_dim3A_3 {strides = array<i32>} : memref<32x1100xf32, #tpu.memory_space<vmem>>, vector<16xf32>,
      %swap3A_198 = arith.index_cast %scan3A_95 : i32 to index
      %swap3A_199 = arith.constant 272 : index
      %swap3A_200 = tpu.vector_load %arg4[%swap3A_198, %swap3A_199] {strides = array<i32>} : memref<32x1100xf32, #tpu.memory_space<vmem>>, vector<16xf32>,
      tpu.vector_store %arg4[%swap3A_198, %swap3A_199], %broadcast_in_dim3A_3 {strides = array<i32>} : memref<32x1100xf32, #tpu.memory_space<vmem>>, vector<16xf32>,
      %swap3A_201 = arith.index_cast %scan3A_95 : i32 to index
      %swap3A_202 = arith.constant 272 : index
      %swap3A_203 = tpu.vector_load %arg5[%swap3A_201, %swap3A_202] {strides = array<i32>} : memref<32x1100xf32, #tpu.memory_space<vmem>>, vector<16xf32>,
      tpu.vector_store %arg5[%swap3A_201, %swap3A_202], %broadcast_in_dim3A_3 {strides = array<i32>} : memref<32x1100xf32, #tpu.memory_space<vmem>>, vector<16xf32>,
      %swap3A_204 = arith.index_cast %scan3A_95 : i32 to index
      %swap3A_205 = arith.constant 288 : index
      %swap3A_206 = tpu.vector_load %arg4[%swap3A_204, %swap3A_205] {strides = array<i32>} : memref<32x1100xf32, #tpu.memory_space<vmem>>, vector<16xf32>,
      tpu.vector_store %arg4[%swap3A_204, %swap3A_205], %broadcast_in_dim3A_3 {strides = array<i32>} : memref<32x1100xf32, #tpu.memory_space<vmem>>, vector<16xf32>,
      %swap3A_207 = arith.index_cast %scan3A_95 : i32 to index
      %swap3A_208 = arith.constant 288 : index
      %swap3A_209 = tpu.vector_load %arg5[%swap3A_207, %swap3A_208] {strides = array<i32>} : memref<32x1100xf32, #tpu.memory_space<vmem>>, vector<16xf32>,
      tpu.vector_store %arg5[%swap3A_207, %swap3A_208], %broadcast_in_dim3A_3 {strides = array<i32>} : memref<32x1100xf32, #tpu.memory_space<vmem>>, vector<16xf32>,
      %swap3A_210 = arith.index_cast %scan3A_95 : i32 to index
      %swap3A_211 = arith.constant 304 : index
      %swap3A_212 = tpu.vector_load %arg4[%swap3A_210, %swap3A_211] {strides = array<i32>} : memref<32x1100xf32, #tpu.memory_space<vmem>>, vector<16xf32>,
      tpu.vector_store %arg4[%swap3A_210, %swap3A_211], %broadcast_in_dim3A_3 {strides = array<i32>} : memref<32x1100xf32, #tpu.memory_space<vmem>>, vector<16xf32>,
      %swap3A_213 = arith.index_cast %scan3A_95 : i32 to index
      %swap3A_214 = arith.constant 304 : index
      %swap3A_215 = tpu.vector_load %arg5[%swap3A_213, %swap3A_214] {strides = array<i32>} : memref<32x1100xf32, #tpu.memory_space<vmem>>, vector<16xf32>,
      tpu.vector_store %arg5[%swap3A_213, %swap3A_214], %broadcast_in_dim3A_3 {strides = array<i32>} : memref<32x1100xf32, #tpu.memory_space<vmem>>, vector<16xf32>,
      %swap3A_216 = arith.index_cast %scan3A_95 : i32 to index
      %swap3A_217 = arith.constant 320 : index
      %swap3A_218 = tpu.vector_load %arg4[%swap3A_216, %swap3A_217] {strides = array<i32>} : memref<32x1100xf32, #tpu.memory_space<vmem>>, vector<16xf32>,
      tpu.vector_store %arg4[%swap3A_216, %swap3A_217], %broadcast_in_dim3A_3 {strides = array<i32>} : memref<32x1100xf32, #tpu.memory_space<vmem>>, vector<16xf32>,
      %swap3A_219 = arith.index_cast %scan3A_95 : i32 to index
      %swap3A_220 = arith.constant 320 : index
      %swap3A_221 = tpu.vector_load %arg5[%swap3A_219, %swap3A_220] {strides = array<i32>} : memref<32x1100xf32, #tpu.memory_space<vmem>>, vector<16xf32>,
      tpu.vector_store %arg5[%swap3A_219, %swap3A_220], %broadcast_in_dim3A_3 {strides = array<i32>} : memref<32x1100xf32, #tpu.memory_space<vmem>>, vector<16xf32>,
      %swap3A_222 = arith.index_cast %scan3A_95 : i32 to index
      %swap3A_223 = arith.constant 336 : index
      %swap3A_224 = tpu.vector_load %arg4[%swap3A_222, %swap3A_223] {strides = array<i32>} : memref<32x1100xf32, #tpu.memory_space<vmem>>, vector<16xf32>,
      tpu.vector_store %arg4[%swap3A_222, %swap3A_223], %broadcast_in_dim3A_3 {strides = array<i32>} : memref<32x1100xf32, #tpu.memory_space<vmem>>, vector<16xf32>,
      %swap3A_225 = arith.index_cast %scan3A_95 : i32 to index
      %swap3A_226 = arith.constant 336 : index
      %swap3A_227 = tpu.vector_load %arg5[%swap3A_225, %swap3A_226] {strides = array<i32>} : memref<32x1100xf32, #tpu.memory_space<vmem>>, vector<16xf32>,
      tpu.vector_store %arg5[%swap3A_225, %swap3A_226], %broadcast_in_dim3A_3 {strides = array<i32>} : memref<32x1100xf32, #tpu.memory_space<vmem>>, vector<16xf32>,
      %swap3A_228 = arith.index_cast %scan3A_95 : i32 to index
      %swap3A_229 = arith.constant 352 : index
      %swap3A_230 = tpu.vector_load %arg4[%swap3A_228, %swap3A_229] {strides = array<i32>} : memref<32x1100xf32, #tpu.memory_space<vmem>>, vector<16xf32>,
      tpu.vector_store %arg4[%swap3A_228, %swap3A_229], %broadcast_in_dim3A_3 {strides = array<i32>} : memref<32x1100xf32, #tpu.memory_space<vmem>>, vector<16xf32>,
      %swap3A_231 = arith.index_cast %scan3A_95 : i32 to index
      %swap3A_232 = arith.constant 352 : index
      %swap3A_233 = tpu.vector_load %arg5[%swap3A_231, %swap3A_232] {strides = array<i32>} : memref<32x1100xf32, #tpu.memory_space<vmem>>, vector<16xf32>,
      tpu.vector_store %arg5[%swap3A_231, %swap3A_232], %broadcast_in_dim3A_3 {strides = array<i32>} : memref<32x1100xf32, #tpu.memory_space<vmem>>, vector<16xf32>,
      %swap3A_234 = arith.index_cast %scan3A_95 : i32 to index
      %swap3A_235 = arith.constant 368 : index
      %swap3A_236 = tpu.vector_load %arg4[%swap3A_234, %swap3A_235] {strides = array<i32>} : memref<32x1100xf32, #tpu.memory_space<vmem>>, vector<16xf32>,
      tpu.vector_store %arg4[%swap3A_234, %swap3A_235], %broadcast_in_dim3A_3 {strides = array<i32>} : memref<32x1100xf32, #tpu.memory_space<vmem>>, vector<16xf32>,
      %swap3A_237 = arith.index_cast %scan3A_95 : i32 to index
      %swap3A_238 = arith.constant 368 : index
      %swap3A_239 = tpu.vector_load %arg5[%swap3A_237, %swap3A_238] {strides = array<i32>} : memref<32x1100xf32, #tpu.memory_space<vmem>>, vector<16xf32>,
      tpu.vector_store %arg5[%swap3A_237, %swap3A_238], %broadcast_in_dim3A_3 {strides = array<i32>} : memref<32x1100xf32, #tpu.memory_space<vmem>>, vector<16xf32>,
      %swap3A_240 = arith.index_cast %scan3A_95 : i32 to index
      %swap3A_241 = arith.constant 384 : index
      %swap3A_242 = tpu.vector_load %arg4[%swap3A_240, %swap3A_241] {strides = array<i32>} : memref<32x1100xf32, #tpu.memory_space<vmem>>, vector<16xf32>,
      tpu.vector_store %arg4[%swap3A_240, %swap3A_241], %broadcast_in_dim3A_3 {strides = array<i32>} : memref<32x1100xf32, #tpu.memory_space<vmem>>, vector<16xf32>,
      %swap3A_243 = arith.index_cast %scan3A_95 : i32 to index
      %swap3A_244 = arith.constant 384 : index
      %swap3A_245 = tpu.vector_load %arg5[%swap3A_243, %swap3A_244] {strides = array<i32>} : memref<32x1100xf32, #tpu.memory_space<vmem>>, vector<16xf32>,
      tpu.vector_store %arg5[%swap3A_243, %swap3A_244], %broadcast_in_dim3A_3 {strides = array<i32>} : memref<32x1100xf32, #tpu.memory_space<vmem>>, vector<16xf32>,
      %swap3A_246 = arith.index_cast %scan3A_95 : i32 to index
      %swap3A_247 = arith.constant 400 : index
      %swap3A_248 = tpu.vector_load %arg4[%swap3A_246, %swap3A_247] {strides = array<i32>} : memref<32x1100xf32, #tpu.memory_space<vmem>>, vector<16xf32>,
      tpu.vector_store %arg4[%swap3A_246, %swap3A_247], %broadcast_in_dim3A_3 {strides = array<i32>} : memref<32x1100xf32, #tpu.memory_space<vmem>>, vector<16xf32>,
      %swap3A_249 = arith.index_cast %scan3A_95 : i32 to index
      %swap3A_250 = arith.constant 400 : index
      %swap3A_251 = tpu.vector_load %arg5[%swap3A_249, %swap3A_250] {strides = array<i32>} : memref<32x1100xf32, #tpu.memory_space<vmem>>, vector<16xf32>,
      tpu.vector_store %arg5[%swap3A_249, %swap3A_250], %broadcast_in_dim3A_3 {strides = array<i32>} : memref<32x1100xf32, #tpu.memory_space<vmem>>, vector<16xf32>,
      %swap3A_252 = arith.index_cast %scan3A_95 : i32 to index
      %swap3A_253 = arith.constant 416 : index
      %swap3A_254 = tpu.vector_load %arg4[%swap3A_252, %swap3A_253] {strides = array<i32>} : memref<32x1100xf32, #tpu.memory_space<vmem>>, vector<16xf32>,
      tpu.vector_store %arg4[%swap3A_252, %swap3A_253], %broadcast_in_dim3A_3 {strides = array<i32>} : memref<32x1100xf32, #tpu.memory_space<vmem>>, vector<16xf32>,
      %swap3A_255 = arith.index_cast %scan3A_95 : i32 to index
      %swap3A_256 = arith.constant 416 : index
      %swap3A_257 = tpu.vector_load %arg5[%swap3A_255, %swap3A_256] {strides = array<i32>} : memref<32x1100xf32, #tpu.memory_space<vmem>>, vector<16xf32>,
      tpu.vector_store %arg5[%swap3A_255, %swap3A_256], %broadcast_in_dim3A_3 {strides = array<i32>} : memref<32x1100xf32, #tpu.memory_space<vmem>>, vector<16xf32>,
      %swap3A_258 = arith.index_cast %scan3A_95 : i32 to index
      %swap3A_259 = arith.constant 432 : index
      %swap3A_260 = tpu.vector_load %arg4[%swap3A_258, %swap3A_259] {strides = array<i32>} : memref<32x1100xf32, #tpu.memory_space<vmem>>, vector<16xf32>,
      tpu.vector_store %arg4[%swap3A_258, %swap3A_259], %broadcast_in_dim3A_3 {strides = array<i32>} : memref<32x1100xf32, #tpu.memory_space<vmem>>, vector<16xf32>,
      %swap3A_261 = arith.index_cast %scan3A_95 : i32 to index
      %swap3A_262 = arith.constant 432 : index
      %swap3A_263 = tpu.vector_load %arg5[%swap3A_261, %swap3A_262] {strides = array<i32>} : memref<32x1100xf32, #tpu.memory_space<vmem>>, vector<16xf32>,
      tpu.vector_store %arg5[%swap3A_261, %swap3A_262], %broadcast_in_dim3A_3 {strides = array<i32>} : memref<32x1100xf32, #tpu.memory_space<vmem>>, vector<16xf32>,
      %swap3A_264 = arith.index_cast %scan3A_95 : i32 to index
      %swap3A_265 = arith.constant 448 : index
      %swap3A_266 = tpu.vector_load %arg4[%swap3A_264, %swap3A_265] {strides = array<i32>} : memref<32x1100xf32, #tpu.memory_space<vmem>>, vector<16xf32>,
      tpu.vector_store %arg4[%swap3A_264, %swap3A_265], %broadcast_in_dim3A_3 {strides = array<i32>} : memref<32x1100xf32, #tpu.memory_space<vmem>>, vector<16xf32>,
      %swap3A_267 = arith.index_cast %scan3A_95 : i32 to index
      %swap3A_268 = arith.constant 448 : index
      %swap3A_269 = tpu.vector_load %arg5[%swap3A_267, %swap3A_268] {strides = array<i32>} : memref<32x1100xf32, #tpu.memory_space<vmem>>, vector<16xf32>,
      tpu.vector_store %arg5[%swap3A_267, %swap3A_268], %broadcast_in_dim3A_3 {strides = array<i32>} : memref<32x1100xf32, #tpu.memory_space<vmem>>, vector<16xf32>,
      %swap3A_270 = arith.index_cast %scan3A_95 : i32 to index
      %swap3A_271 = arith.constant 464 : index
      %swap3A_272 = tpu.vector_load %arg4[%swap3A_270, %swap3A_271] {strides = array<i32>} : memref<32x1100xf32, #tpu.memory_space<vmem>>, vector<16xf32>,
      tpu.vector_store %arg4[%swap3A_270, %swap3A_271], %broadcast_in_dim3A_3 {strides = array<i32>} : memref<32x1100xf32, #tpu.memory_space<vmem>>, vector<16xf32>,
      %swap3A_273 = arith.index_cast %scan3A_95 : i32 to index
      %swap3A_274 = arith.constant 464 : index
      %swap3A_275 = tpu.vector_load %arg5[%swap3A_273, %swap3A_274] {strides = array<i32>} : memref<32x1100xf32, #tpu.memory_space<vmem>>, vector<16xf32>,
      tpu.vector_store %arg5[%swap3A_273, %swap3A_274], %broadcast_in_dim3A_3 {strides = array<i32>} : memref<32x1100xf32, #tpu.memory_space<vmem>>, vector<16xf32>,
      %swap3A_276 = arith.index_cast %scan3A_95 : i32 to index
      %swap3A_277 = arith.constant 480 : index
      %swap3A_278 = tpu.vector_load %arg4[%swap3A_276, %swap3A_277] {strides = array<i32>} : memref<32x1100xf32, #tpu.memory_space<vmem>>, vector<16xf32>,
      tpu.vector_store %arg4[%swap3A_276, %swap3A_277], %broadcast_in_dim3A_3 {strides = array<i32>} : memref<32x1100xf32, #tpu.memory_space<vmem>>, vector<16xf32>,
      %swap3A_279 = arith.index_cast %scan3A_95 : i32 to index
      %swap3A_280 = arith.constant 480 : index
      %swap3A_281 = tpu.vector_load %arg5[%swap3A_279, %swap3A_280] {strides = array<i32>} : memref<32x1100xf32, #tpu.memory_space<vmem>>, vector<16xf32>,
      tpu.vector_store %arg5[%swap3A_279, %swap3A_280], %broadcast_in_dim3A_3 {strides = array<i32>} : memref<32x1100xf32, #tpu.memory_space<vmem>>, vector<16xf32>,
      %swap3A_282 = arith.index_cast %scan3A_95 : i32 to index
      %swap3A_283 = arith.constant 496 : index
      %swap3A_284 = tpu.vector_load %arg4[%swap3A_282, %swap3A_283] {strides = array<i32>} : memref<32x1100xf32, #tpu.memory_space<vmem>>, vector<16xf32>,
      tpu.vector_store %arg4[%swap3A_282, %swap3A_283], %broadcast_in_dim3A_3 {strides = array<i32>} : memref<32x1100xf32, #tpu.memory_space<vmem>>, vector<16xf32>,
      %swap3A_285 = arith.index_cast %scan3A_95 : i32 to index
      %swap3A_286 = arith.constant 496 : index
      %swap3A_287 = tpu.vector_load %arg5[%swap3A_285, %swap3A_286] {strides = array<i32>} : memref<32x1100xf32, #tpu.memory_space<vmem>>, vector<16xf32>,
      tpu.vector_store %arg5[%swap3A_285, %swap3A_286], %broadcast_in_dim3A_3 {strides = array<i32>} : memref<32x1100xf32, #tpu.memory_space<vmem>>, vector<16xf32>,
      %swap3A_288 = arith.index_cast %scan3A_95 : i32 to index
      %swap3A_289 = arith.constant 512 : index
      %swap3A_290 = tpu.vector_load %arg4[%swap3A_288, %swap3A_289] {strides = array<i32>} : memref<32x1100xf32, #tpu.memory_space<vmem>>, vector<16xf32>,
      tpu.vector_store %arg4[%swap3A_288, %swap3A_289], %broadcast_in_dim3A_3 {strides = array<i32>} : memref<32x1100xf32, #tpu.memory_space<vmem>>, vector<16xf32>,
      %swap3A_291 = arith.index_cast %scan3A_95 : i32 to index
      %swap3A_292 = arith.constant 512 : index
      %swap3A_293 = tpu.vector_load %arg5[%swap3A_291, %swap3A_292] {strides = array<i32>} : memref<32x1100xf32, #tpu.memory_space<vmem>>, vector<16xf32>,
      tpu.vector_store %arg5[%swap3A_291, %swap3A_292], %broadcast_in_dim3A_3 {strides = array<i32>} : memref<32x1100xf32, #tpu.memory_space<vmem>>, vector<16xf32>,
      %swap3A_294 = arith.index_cast %scan3A_95 : i32 to index
      %swap3A_295 = arith.constant 528 : index
      %swap3A_296 = tpu.vector_load %arg4[%swap3A_294, %swap3A_295] {strides = array<i32>} : memref<32x1100xf32, #tpu.memory_space<vmem>>, vector<16xf32>,
      tpu.vector_store %arg4[%swap3A_294, %swap3A_295], %broadcast_in_dim3A_3 {strides = array<i32>} : memref<32x1100xf32, #tpu.memory_space<vmem>>, vector<16xf32>,
      %swap3A_297 = arith.index_cast %scan3A_95 : i32 to index
      %swap3A_298 = arith.constant 528 : index
      %swap3A_299 = tpu.vector_load %arg5[%swap3A_297, %swap3A_298] {strides = array<i32>} : memref<32x1100xf32, #tpu.memory_space<vmem>>, vector<16xf32>,
      tpu.vector_store %arg5[%swap3A_297, %swap3A_298], %broadcast_in_dim3A_3 {strides = array<i32>} : memref<32x1100xf32, #tpu.memory_space<vmem>>, vector<16xf32>,
      %swap3A_300 = arith.index_cast %scan3A_95 : i32 to index
      %swap3A_301 = arith.constant 544 : index
      %swap3A_302 = tpu.vector_load %arg4[%swap3A_300, %swap3A_301] {strides = array<i32>} : memref<32x1100xf32, #tpu.memory_space<vmem>>, vector<16xf32>,
      tpu.vector_store %arg4[%swap3A_300, %swap3A_301], %broadcast_in_dim3A_3 {strides = array<i32>} : memref<32x1100xf32, #tpu.memory_space<vmem>>, vector<16xf32>,
      %swap3A_303 = arith.index_cast %scan3A_95 : i32 to index
      %swap3A_304 = arith.constant 544 : index
      %swap3A_305 = tpu.vector_load %arg5[%swap3A_303, %swap3A_304] {strides = array<i32>} : memref<32x1100xf32, #tpu.memory_space<vmem>>, vector<16xf32>,
      tpu.vector_store %arg5[%swap3A_303, %swap3A_304], %broadcast_in_dim3A_3 {strides = array<i32>} : memref<32x1100xf32, #tpu.memory_space<vmem>>, vector<16xf32>,
      %swap3A_306 = arith.index_cast %scan3A_95 : i32 to index
      %swap3A_307 = arith.constant 560 : index
      %swap3A_308 = tpu.vector_load %arg4[%swap3A_306, %swap3A_307] {strides = array<i32>} : memref<32x1100xf32, #tpu.memory_space<vmem>>, vector<16xf32>,
      tpu.vector_store %arg4[%swap3A_306, %swap3A_307], %broadcast_in_dim3A_3 {strides = array<i32>} : memref<32x1100xf32, #tpu.memory_space<vmem>>, vector<16xf32>,
      %swap3A_309 = arith.index_cast %scan3A_95 : i32 to index
      %swap3A_310 = arith.constant 560 : index
      %swap3A_311 = tpu.vector_load %arg5[%swap3A_309, %swap3A_310] {strides = array<i32>} : memref<32x1100xf32, #tpu.memory_space<vmem>>, vector<16xf32>,
      tpu.vector_store %arg5[%swap3A_309, %swap3A_310], %broadcast_in_dim3A_3 {strides = array<i32>} : memref<32x1100xf32, #tpu.memory_space<vmem>>, vector<16xf32>,
      %swap3A_312 = arith.index_cast %scan3A_95 : i32 to index
      %swap3A_313 = arith.constant 576 : index
      %swap3A_314 = tpu.vector_load %arg4[%swap3A_312, %swap3A_313] {strides = array<i32>} : memref<32x1100xf32, #tpu.memory_space<vmem>>, vector<16xf32>,
      tpu.vector_store %arg4[%swap3A_312, %swap3A_313], %broadcast_in_dim3A_3 {strides = array<i32>} : memref<32x1100xf32, #tpu.memory_space<vmem>>, vector<16xf32>,
      %swap3A_315 = arith.index_cast %scan3A_95 : i32 to index
      %swap3A_316 = arith.constant 576 : index
      %swap3A_317 = tpu.vector_load %arg5[%swap3A_315, %swap3A_316] {strides = array<i32>} : memref<32x1100xf32, #tpu.memory_space<vmem>>, vector<16xf32>,
      tpu.vector_store %arg5[%swap3A_315, %swap3A_316], %broadcast_in_dim3A_3 {strides = array<i32>} : memref<32x1100xf32, #tpu.memory_space<vmem>>, vector<16xf32>,
      %swap3A_318 = arith.index_cast %scan3A_95 : i32 to index
      %swap3A_319 = arith.constant 592 : index
      %swap3A_320 = tpu.vector_load %arg4[%swap3A_318, %swap3A_319] {strides = array<i32>} : memref<32x1100xf32, #tpu.memory_space<vmem>>, vector<16xf32>,
      tpu.vector_store %arg4[%swap3A_318, %swap3A_319], %broadcast_in_dim3A_3 {strides = array<i32>} : memref<32x1100xf32, #tpu.memory_space<vmem>>, vector<16xf32>,
      %swap3A_321 = arith.index_cast %scan3A_95 : i32 to index
      %swap3A_322 = arith.constant 592 : index
      %swap3A_323 = tpu.vector_load %arg5[%swap3A_321, %swap3A_322] {strides = array<i32>} : memref<32x1100xf32, #tpu.memory_space<vmem>>, vector<16xf32>,
      tpu.vector_store %arg5[%swap3A_321, %swap3A_322], %broadcast_in_dim3A_3 {strides = array<i32>} : memref<32x1100xf32, #tpu.memory_space<vmem>>, vector<16xf32>,
      %swap3A_324 = arith.index_cast %scan3A_95 : i32 to index
      %swap3A_325 = arith.constant 608 : index
      %swap3A_326 = tpu.vector_load %arg4[%swap3A_324, %swap3A_325] {strides = array<i32>} : memref<32x1100xf32, #tpu.memory_space<vmem>>, vector<16xf32>,
      tpu.vector_store %arg4[%swap3A_324, %swap3A_325], %broadcast_in_dim3A_3 {strides = array<i32>} : memref<32x1100xf32, #tpu.memory_space<vmem>>, vector<16xf32>,
      %swap3A_327 = arith.index_cast %scan3A_95 : i32 to index
      %swap3A_328 = arith.constant 608 : index
      %swap3A_329 = tpu.vector_load %arg5[%swap3A_327, %swap3A_328] {strides = array<i32>} : memref<32x1100xf32, #tpu.memory_space<vmem>>, vector<16xf32>,
      tpu.vector_store %arg5[%swap3A_327, %swap3A_328], %broadcast_in_dim3A_3 {strides = array<i32>} : memref<32x1100xf32, #tpu.memory_space<vmem>>, vector<16xf32>,
      %swap3A_330 = arith.index_cast %scan3A_95 : i32 to index
      %swap3A_331 = arith.constant 624 : index
      %swap3A_332 = tpu.vector_load %arg4[%swap3A_330, %swap3A_331] {strides = array<i32>} : memref<32x1100xf32, #tpu.memory_space<vmem>>, vector<16xf32>,
      tpu.vector_store %arg4[%swap3A_330, %swap3A_331], %broadcast_in_dim3A_3 {strides = array<i32>} : memref<32x1100xf32, #tpu.memory_space<vmem>>, vector<16xf32>,
      %swap3A_333 = arith.index_cast %scan3A_95 : i32 to index
      %swap3A_334 = arith.constant 624 : index
      %swap3A_335 = tpu.vector_load %arg5[%swap3A_333, %swap3A_334] {strides = array<i32>} : memref<32x1100xf32, #tpu.memory_space<vmem>>, vector<16xf32>,
      tpu.vector_store %arg5[%swap3A_333, %swap3A_334], %broadcast_in_dim3A_3 {strides = array<i32>} : memref<32x1100xf32, #tpu.memory_space<vmem>>, vector<16xf32>,
      %swap3A_336 = arith.index_cast %scan3A_95 : i32 to index
      %swap3A_337 = arith.constant 640 : index
      %swap3A_338 = tpu.vector_load %arg4[%swap3A_336, %swap3A_337] {strides = array<i32>} : memref<32x1100xf32, #tpu.memory_space<vmem>>, vector<16xf32>,
      tpu.vector_store %arg4[%swap3A_336, %swap3A_337], %broadcast_in_dim3A_3 {strides = array<i32>} : memref<32x1100xf32, #tpu.memory_space<vmem>>, vector<16xf32>,
      %swap3A_339 = arith.index_cast %scan3A_95 : i32 to index
      %swap3A_340 = arith.constant 640 : index
      %swap3A_341 = tpu.vector_load %arg5[%swap3A_339, %swap3A_340] {strides = array<i32>} : memref<32x1100xf32, #tpu.memory_space<vmem>>, vector<16xf32>,
      tpu.vector_store %arg5[%swap3A_339, %swap3A_340], %broadcast_in_dim3A_3 {strides = array<i32>} : memref<32x1100xf32, #tpu.memory_space<vmem>>, vector<16xf32>,
      %swap3A_342 = arith.index_cast %scan3A_95 : i32 to index
      %swap3A_343 = arith.constant 656 : index
      %swap3A_344 = tpu.vector_load %arg4[%swap3A_342, %swap3A_343] {strides = array<i32>} : memref<32x1100xf32, #tpu.memory_space<vmem>>, vector<16xf32>,
      tpu.vector_store %arg4[%swap3A_342, %swap3A_343], %broadcast_in_dim3A_3 {strides = array<i32>} : memref<32x1100xf32, #tpu.memory_space<vmem>>, vector<16xf32>,
      %swap3A_345 = arith.index_cast %scan3A_95 : i32 to index
      %swap3A_346 = arith.constant 656 : index
      %swap3A_347 = tpu.vector_load %arg5[%swap3A_345, %swap3A_346] {strides = array<i32>} : memref<32x1100xf32, #tpu.memory_space<vmem>>, vector<16xf32>,
      tpu.vector_store %arg5[%swap3A_345, %swap3A_346], %broadcast_in_dim3A_3 {strides = array<i32>} : memref<32x1100xf32, #tpu.memory_space<vmem>>, vector<16xf32>,
      %swap3A_348 = arith.index_cast %scan3A_95 : i32 to index
      %swap3A_349 = arith.constant 672 : index
      %swap3A_350 = tpu.vector_load %arg4[%swap3A_348, %swap3A_349] {strides = array<i32>} : memref<32x1100xf32, #tpu.memory_space<vmem>>, vector<16xf32>,
      tpu.vector_store %arg4[%swap3A_348, %swap3A_349], %broadcast_in_dim3A_3 {strides = array<i32>} : memref<32x1100xf32, #tpu.memory_space<vmem>>, vector<16xf32>,
      %swap3A_351 = arith.index_cast %scan3A_95 : i32 to index
      %swap3A_352 = arith.constant 672 : index
      %swap3A_353 = tpu.vector_load %arg5[%swap3A_351, %swap3A_352] {strides = array<i32>} : memref<32x1100xf32, #tpu.memory_space<vmem>>, vector<16xf32>,
      tpu.vector_store %arg5[%swap3A_351, %swap3A_352], %broadcast_in_dim3A_3 {strides = array<i32>} : memref<32x1100xf32, #tpu.memory_space<vmem>>, vector<16xf32>,
      %swap3A_354 = arith.index_cast %scan3A_95 : i32 to index
      %swap3A_355 = arith.constant 688 : index
      %swap3A_356 = tpu.vector_load %arg4[%swap3A_354, %swap3A_355] {strides = array<i32>} : memref<32x1100xf32, #tpu.memory_space<vmem>>, vector<16xf32>,
      tpu.vector_store %arg4[%swap3A_354, %swap3A_355], %broadcast_in_dim3A_3 {strides = array<i32>} : memref<32x1100xf32, #tpu.memory_space<vmem>>, vector<16xf32>,
      %swap3A_357 = arith.index_cast %scan3A_95 : i32 to index
      %swap3A_358 = arith.constant 688 : index
      %swap3A_359 = tpu.vector_load %arg5[%swap3A_357, %swap3A_358] {strides = array<i32>} : memref<32x1100xf32, #tpu.memory_space<vmem>>, vector<16xf32>,
      tpu.vector_store %arg5[%swap3A_357, %swap3A_358], %broadcast_in_dim3A_3 {strides = array<i32>} : memref<32x1100xf32, #tpu.memory_space<vmem>>, vector<16xf32>,
      %swap3A_360 = arith.index_cast %scan3A_95 : i32 to index
      %swap3A_361 = arith.constant 704 : index
      %swap3A_362 = tpu.vector_load %arg4[%swap3A_360, %swap3A_361] {strides = array<i32>} : memref<32x1100xf32, #tpu.memory_space<vmem>>, vector<16xf32>,
      tpu.vector_store %arg4[%swap3A_360, %swap3A_361], %broadcast_in_dim3A_3 {strides = array<i32>} : memref<32x1100xf32, #tpu.memory_space<vmem>>, vector<16xf32>,
      %swap3A_363 = arith.index_cast %scan3A_95 : i32 to index
      %swap3A_364 = arith.constant 704 : index
      %swap3A_365 = tpu.vector_load %arg5[%swap3A_363, %swap3A_364] {strides = array<i32>} : memref<32x1100xf32, #tpu.memory_space<vmem>>, vector<16xf32>,
      tpu.vector_store %arg5[%swap3A_363, %swap3A_364], %broadcast_in_dim3A_3 {strides = array<i32>} : memref<32x1100xf32, #tpu.memory_space<vmem>>, vector<16xf32>,
      %swap3A_366 = arith.index_cast %scan3A_95 : i32 to index
      %swap3A_367 = arith.constant 720 : index
      %swap3A_368 = tpu.vector_load %arg4[%swap3A_366, %swap3A_367] {strides = array<i32>} : memref<32x1100xf32, #tpu.memory_space<vmem>>, vector<16xf32>,
      tpu.vector_store %arg4[%swap3A_366, %swap3A_367], %broadcast_in_dim3A_3 {strides = array<i32>} : memref<32x1100xf32, #tpu.memory_space<vmem>>, vector<16xf32>,
      %swap3A_369 = arith.index_cast %scan3A_95 : i32 to index
      %swap3A_370 = arith.constant 720 : index
      %swap3A_371 = tpu.vector_load %arg5[%swap3A_369, %swap3A_370] {strides = array<i32>} : memref<32x1100xf32, #tpu.memory_space<vmem>>, vector<16xf32>,
      tpu.vector_store %arg5[%swap3A_369, %swap3A_370], %broadcast_in_dim3A_3 {strides = array<i32>} : memref<32x1100xf32, #tpu.memory_space<vmem>>, vector<16xf32>,
      %swap3A_372 = arith.index_cast %scan3A_95 : i32 to index
      %swap3A_373 = arith.constant 736 : index
      %swap3A_374 = tpu.vector_load %arg4[%swap3A_372, %swap3A_373] {strides = array<i32>} : memref<32x1100xf32, #tpu.memory_space<vmem>>, vector<16xf32>,
      tpu.vector_store %arg4[%swap3A_372, %swap3A_373], %broadcast_in_dim3A_3 {strides = array<i32>} : memref<32x1100xf32, #tpu.memory_space<vmem>>, vector<16xf32>,
      %swap3A_375 = arith.index_cast %scan3A_95 : i32 to index
      %swap3A_376 = arith.constant 736 : index
      %swap3A_377 = tpu.vector_load %arg5[%swap3A_375, %swap3A_376] {strides = array<i32>} : memref<32x1100xf32, #tpu.memory_space<vmem>>, vector<16xf32>,
      tpu.vector_store %arg5[%swap3A_375, %swap3A_376], %broadcast_in_dim3A_3 {strides = array<i32>} : memref<32x1100xf32, #tpu.memory_space<vmem>>, vector<16xf32>,
      %swap3A_378 = arith.index_cast %scan3A_95 : i32 to index
      %swap3A_379 = arith.constant 752 : index
      %swap3A_380 = tpu.vector_load %arg4[%swap3A_378, %swap3A_379] {strides = array<i32>} : memref<32x1100xf32, #tpu.memory_space<vmem>>, vector<16xf32>,
      tpu.vector_store %arg4[%swap3A_378, %swap3A_379], %broadcast_in_dim3A_3 {strides = array<i32>} : memref<32x1100xf32, #tpu.memory_space<vmem>>, vector<16xf32>,
      %swap3A_381 = arith.index_cast %scan3A_95 : i32 to index
      %swap3A_382 = arith.constant 752 : index
      %swap3A_383 = tpu.vector_load %arg5[%swap3A_381, %swap3A_382] {strides = array<i32>} : memref<32x1100xf32, #tpu.memory_space<vmem>>, vector<16xf32>,
      tpu.vector_store %arg5[%swap3A_381, %swap3A_382], %broadcast_in_dim3A_3 {strides = array<i32>} : memref<32x1100xf32, #tpu.memory_space<vmem>>, vector<16xf32>,
      %swap3A_384 = arith.index_cast %scan3A_95 : i32 to index
      %swap3A_385 = arith.constant 768 : index
      %swap3A_386 = tpu.vector_load %arg4[%swap3A_384, %swap3A_385] {strides = array<i32>} : memref<32x1100xf32, #tpu.memory_space<vmem>>, vector<16xf32>,
      tpu.vector_store %arg4[%swap3A_384, %swap3A_385], %broadcast_in_dim3A_3 {strides = array<i32>} : memref<32x1100xf32, #tpu.memory_space<vmem>>, vector<16xf32>,
      %swap3A_387 = arith.index_cast %scan3A_95 : i32 to index
      %swap3A_388 = arith.constant 768 : index
      %swap3A_389 = tpu.vector_load %arg5[%swap3A_387, %swap3A_388] {strides = array<i32>} : memref<32x1100xf32, #tpu.memory_space<vmem>>, vector<16xf32>,
      tpu.vector_store %arg5[%swap3A_387, %swap3A_388], %broadcast_in_dim3A_3 {strides = array<i32>} : memref<32x1100xf32, #tpu.memory_space<vmem>>, vector<16xf32>,
      %swap3A_390 = arith.index_cast %scan3A_95 : i32 to index
      %swap3A_391 = arith.constant 784 : index
      %swap3A_392 = tpu.vector_load %arg4[%swap3A_390, %swap3A_391] {strides = array<i32>} : memref<32x1100xf32, #tpu.memory_space<vmem>>, vector<16xf32>,
      tpu.vector_store %arg4[%swap3A_390, %swap3A_391], %broadcast_in_dim3A_3 {strides = array<i32>} : memref<32x1100xf32, #tpu.memory_space<vmem>>, vector<16xf32>,
      %swap3A_393 = arith.index_cast %scan3A_95 : i32 to index
      %swap3A_394 = arith.constant 784 : index
      %swap3A_395 = tpu.vector_load %arg5[%swap3A_393, %swap3A_394] {strides = array<i32>} : memref<32x1100xf32, #tpu.memory_space<vmem>>, vector<16xf32>,
      tpu.vector_store %arg5[%swap3A_393, %swap3A_394], %broadcast_in_dim3A_3 {strides = array<i32>} : memref<32x1100xf32, #tpu.memory_space<vmem>>, vector<16xf32>,
      %swap3A_396 = arith.index_cast %scan3A_95 : i32 to index
      %swap3A_397 = arith.constant 800 : index
      %swap3A_398 = tpu.vector_load %arg4[%swap3A_396, %swap3A_397] {strides = array<i32>} : memref<32x1100xf32, #tpu.memory_space<vmem>>, vector<16xf32>,
      tpu.vector_store %arg4[%swap3A_396, %swap3A_397], %broadcast_in_dim3A_3 {strides = array<i32>} : memref<32x1100xf32, #tpu.memory_space<vmem>>, vector<16xf32>,
      %swap3A_399 = arith.index_cast %scan3A_95 : i32 to index
      %swap3A_400 = arith.constant 800 : index
      %swap3A_401 = tpu.vector_load %arg5[%swap3A_399, %swap3A_400] {strides = array<i32>} : memref<32x1100xf32, #tpu.memory_space<vmem>>, vector<16xf32>,
      tpu.vector_store %arg5[%swap3A_399, %swap3A_400], %broadcast_in_dim3A_3 {strides = array<i32>} : memref<32x1100xf32, #tpu.memory_space<vmem>>, vector<16xf32>,
      %swap3A_402 = arith.index_cast %scan3A_95 : i32 to index
      %swap3A_403 = arith.constant 816 : index
      %swap3A_404 = tpu.vector_load %arg4[%swap3A_402, %swap3A_403] {strides = array<i32>} : memref<32x1100xf32, #tpu.memory_space<vmem>>, vector<16xf32>,
      tpu.vector_store %arg4[%swap3A_402, %swap3A_403], %broadcast_in_dim3A_3 {strides = array<i32>} : memref<32x1100xf32, #tpu.memory_space<vmem>>, vector<16xf32>,
      %swap3A_405 = arith.index_cast %scan3A_95 : i32 to index
      %swap3A_406 = arith.constant 816 : index
      %swap3A_407 = tpu.vector_load %arg5[%swap3A_405, %swap3A_406] {strides = array<i32>} : memref<32x1100xf32, #tpu.memory_space<vmem>>, vector<16xf32>,
      tpu.vector_store %arg5[%swap3A_405, %swap3A_406], %broadcast_in_dim3A_3 {strides = array<i32>} : memref<32x1100xf32, #tpu.memory_space<vmem>>, vector<16xf32>,
      %swap3A_408 = arith.index_cast %scan3A_95 : i32 to index
      %swap3A_409 = arith.constant 832 : index
      %swap3A_410 = tpu.vector_load %arg4[%swap3A_408, %swap3A_409] {strides = array<i32>} : memref<32x1100xf32, #tpu.memory_space<vmem>>, vector<16xf32>,
      tpu.vector_store %arg4[%swap3A_408, %swap3A_409], %broadcast_in_dim3A_3 {strides = array<i32>} : memref<32x1100xf32, #tpu.memory_space<vmem>>, vector<16xf32>,
      %swap3A_411 = arith.index_cast %scan3A_95 : i32 to index
      %swap3A_412 = arith.constant 832 : index
      %swap3A_413 = tpu.vector_load %arg5[%swap3A_411, %swap3A_412] {strides = array<i32>} : memref<32x1100xf32, #tpu.memory_space<vmem>>, vector<16xf32>,
      tpu.vector_store %arg5[%swap3A_411, %swap3A_412], %broadcast_in_dim3A_3 {strides = array<i32>} : memref<32x1100xf32, #tpu.memory_space<vmem>>, vector<16xf32>,
      %swap3A_414 = arith.index_cast %scan3A_95 : i32 to index
      %swap3A_415 = arith.constant 848 : index
      %swap3A_416 = tpu.vector_load %arg4[%swap3A_414, %swap3A_415] {strides = array<i32>} : memref<32x1100xf32, #tpu.memory_space<vmem>>, vector<16xf32>,
      tpu.vector_store %arg4[%swap3A_414, %swap3A_415], %broadcast_in_dim3A_3 {strides = array<i32>} : memref<32x1100xf32, #tpu.memory_space<vmem>>, vector<16xf32>,
      %swap3A_417 = arith.index_cast %scan3A_95 : i32 to index
      %swap3A_418 = arith.constant 848 : index
      %swap3A_419 = tpu.vector_load %arg5[%swap3A_417, %swap3A_418] {strides = array<i32>} : memref<32x1100xf32, #tpu.memory_space<vmem>>, vector<16xf32>,
      tpu.vector_store %arg5[%swap3A_417, %swap3A_418], %broadcast_in_dim3A_3 {strides = array<i32>} : memref<32x1100xf32, #tpu.memory_space<vmem>>, vector<16xf32>,
      %swap3A_420 = arith.index_cast %scan3A_95 : i32 to index
      %swap3A_421 = arith.constant 864 : index
      %swap3A_422 = tpu.vector_load %arg4[%swap3A_420, %swap3A_421] {strides = array<i32>} : memref<32x1100xf32, #tpu.memory_space<vmem>>, vector<16xf32>,
      tpu.vector_store %arg4[%swap3A_420, %swap3A_421], %broadcast_in_dim3A_3 {strides = array<i32>} : memref<32x1100xf32, #tpu.memory_space<vmem>>, vector<16xf32>,
      %swap3A_423 = arith.index_cast %scan3A_95 : i32 to index
      %swap3A_424 = arith.constant 864 : index
      %swap3A_425 = tpu.vector_load %arg5[%swap3A_423, %swap3A_424] {strides = array<i32>} : memref<32x1100xf32, #tpu.memory_space<vmem>>, vector<16xf32>,
      tpu.vector_store %arg5[%swap3A_423, %swap3A_424], %broadcast_in_dim3A_3 {strides = array<i32>} : memref<32x1100xf32, #tpu.memory_space<vmem>>, vector<16xf32>,
      %swap3A_426 = arith.index_cast %scan3A_95 : i32 to index
      %swap3A_427 = arith.constant 880 : index
      %swap3A_428 = tpu.vector_load %arg4[%swap3A_426, %swap3A_427] {strides = array<i32>} : memref<32x1100xf32, #tpu.memory_space<vmem>>, vector<16xf32>,
      tpu.vector_store %arg4[%swap3A_426, %swap3A_427], %broadcast_in_dim3A_3 {strides = array<i32>} : memref<32x1100xf32, #tpu.memory_space<vmem>>, vector<16xf32>,
      %swap3A_429 = arith.index_cast %scan3A_95 : i32 to index
      %swap3A_430 = arith.constant 880 : index
      %swap3A_431 = tpu.vector_load %arg5[%swap3A_429, %swap3A_430] {strides = array<i32>} : memref<32x1100xf32, #tpu.memory_space<vmem>>, vector<16xf32>,
      tpu.vector_store %arg5[%swap3A_429, %swap3A_430], %broadcast_in_dim3A_3 {strides = array<i32>} : memref<32x1100xf32, #tpu.memory_space<vmem>>, vector<16xf32>,
      %swap3A_432 = arith.index_cast %scan3A_95 : i32 to index
      %swap3A_433 = arith.constant 896 : index
      %swap3A_434 = tpu.vector_load %arg4[%swap3A_432, %swap3A_433] {strides = array<i32>} : memref<32x1100xf32, #tpu.memory_space<vmem>>, vector<16xf32>,
      tpu.vector_store %arg4[%swap3A_432, %swap3A_433], %broadcast_in_dim3A_3 {strides = array<i32>} : memref<32x1100xf32, #tpu.memory_space<vmem>>, vector<16xf32>,
      %swap3A_435 = arith.index_cast %scan3A_95 : i32 to index
      %swap3A_436 = arith.constant 896 : index
      %swap3A_437 = tpu.vector_load %arg5[%swap3A_435, %swap3A_436] {strides = array<i32>} : memref<32x1100xf32, #tpu.memory_space<vmem>>, vector<16xf32>,
      tpu.vector_store %arg5[%swap3A_435, %swap3A_436], %broadcast_in_dim3A_3 {strides = array<i32>} : memref<32x1100xf32, #tpu.memory_space<vmem>>, vector<16xf32>,
      %swap3A_438 = arith.index_cast %scan3A_95 : i32 to index
      %swap3A_439 = arith.constant 912 : index
      %swap3A_440 = tpu.vector_load %arg4[%swap3A_438, %swap3A_439] {strides = array<i32>} : memref<32x1100xf32, #tpu.memory_space<vmem>>, vector<16xf32>,
      tpu.vector_store %arg4[%swap3A_438, %swap3A_439], %broadcast_in_dim3A_3 {strides = array<i32>} : memref<32x1100xf32, #tpu.memory_space<vmem>>, vector<16xf32>,
      %swap3A_441 = arith.index_cast %scan3A_95 : i32 to index
      %swap3A_442 = arith.constant 912 : index
      %swap3A_443 = tpu.vector_load %arg5[%swap3A_441, %swap3A_442] {strides = array<i32>} : memref<32x1100xf32, #tpu.memory_space<vmem>>, vector<16xf32>,
      tpu.vector_store %arg5[%swap3A_441, %swap3A_442], %broadcast_in_dim3A_3 {strides = array<i32>} : memref<32x1100xf32, #tpu.memory_space<vmem>>, vector<16xf32>,
      %swap3A_444 = arith.index_cast %scan3A_95 : i32 to index
      %swap3A_445 = arith.constant 928 : index
      %swap3A_446 = tpu.vector_load %arg4[%swap3A_444, %swap3A_445] {strides = array<i32>} : memref<32x1100xf32, #tpu.memory_space<vmem>>, vector<16xf32>,
      tpu.vector_store %arg4[%swap3A_444, %swap3A_445], %broadcast_in_dim3A_3 {strides = array<i32>} : memref<32x1100xf32, #tpu.memory_space<vmem>>, vector<16xf32>,
      %swap3A_447 = arith.index_cast %scan3A_95 : i32 to index
      %swap3A_448 = arith.constant 928 : index
      %swap3A_449 = tpu.vector_load %arg5[%swap3A_447, %swap3A_448] {strides = array<i32>} : memref<32x1100xf32, #tpu.memory_space<vmem>>, vector<16xf32>,
      tpu.vector_store %arg5[%swap3A_447, %swap3A_448], %broadcast_in_dim3A_3 {strides = array<i32>} : memref<32x1100xf32, #tpu.memory_space<vmem>>, vector<16xf32>,
      %swap3A_450 = arith.index_cast %scan3A_95 : i32 to index
      %swap3A_451 = arith.constant 944 : index
      %swap3A_452 = tpu.vector_load %arg4[%swap3A_450, %swap3A_451] {strides = array<i32>} : memref<32x1100xf32, #tpu.memory_space<vmem>>, vector<16xf32>,
      tpu.vector_store %arg4[%swap3A_450, %swap3A_451], %broadcast_in_dim3A_3 {strides = array<i32>} : memref<32x1100xf32, #tpu.memory_space<vmem>>, vector<16xf32>,
      %swap3A_453 = arith.index_cast %scan3A_95 : i32 to index
      %swap3A_454 = arith.constant 944 : index
      %swap3A_455 = tpu.vector_load %arg5[%swap3A_453, %swap3A_454] {strides = array<i32>} : memref<32x1100xf32, #tpu.memory_space<vmem>>, vector<16xf32>,
      tpu.vector_store %arg5[%swap3A_453, %swap3A_454], %broadcast_in_dim3A_3 {strides = array<i32>} : memref<32x1100xf32, #tpu.memory_space<vmem>>, vector<16xf32>,
      %swap3A_456 = arith.index_cast %scan3A_95 : i32 to index
      %swap3A_457 = arith.constant 960 : index
      %swap3A_458 = tpu.vector_load %arg4[%swap3A_456, %swap3A_457] {strides = array<i32>} : memref<32x1100xf32, #tpu.memory_space<vmem>>, vector<16xf32>,
      tpu.vector_store %arg4[%swap3A_456, %swap3A_457], %broadcast_in_dim3A_3 {strides = array<i32>} : memref<32x1100xf32, #tpu.memory_space<vmem>>, vector<16xf32>,
      %swap3A_459 = arith.index_cast %scan3A_95 : i32 to index
      %swap3A_460 = arith.constant 960 : index
      %swap3A_461 = tpu.vector_load %arg5[%swap3A_459, %swap3A_460] {strides = array<i32>} : memref<32x1100xf32, #tpu.memory_space<vmem>>, vector<16xf32>,
      tpu.vector_store %arg5[%swap3A_459, %swap3A_460], %broadcast_in_dim3A_3 {strides = array<i32>} : memref<32x1100xf32, #tpu.memory_space<vmem>>, vector<16xf32>,
      %swap3A_462 = arith.index_cast %scan3A_95 : i32 to index
      %swap3A_463 = arith.constant 976 : index
      %swap3A_464 = tpu.vector_load %arg4[%swap3A_462, %swap3A_463] {strides = array<i32>} : memref<32x1100xf32, #tpu.memory_space<vmem>>, vector<16xf32>,
      tpu.vector_store %arg4[%swap3A_462, %swap3A_463], %broadcast_in_dim3A_3 {strides = array<i32>} : memref<32x1100xf32, #tpu.memory_space<vmem>>, vector<16xf32>,
      %swap3A_465 = arith.index_cast %scan3A_95 : i32 to index
      %swap3A_466 = arith.constant 976 : index
      %swap3A_467 = tpu.vector_load %arg5[%swap3A_465, %swap3A_466] {strides = array<i32>} : memref<32x1100xf32, #tpu.memory_space<vmem>>, vector<16xf32>,
      tpu.vector_store %arg5[%swap3A_465, %swap3A_466], %broadcast_in_dim3A_3 {strides = array<i32>} : memref<32x1100xf32, #tpu.memory_space<vmem>>, vector<16xf32>,
      %swap3A_468 = arith.index_cast %scan3A_95 : i32 to index
      %swap3A_469 = arith.constant 992 : index
      %swap3A_470 = tpu.vector_load %arg4[%swap3A_468, %swap3A_469] {strides = array<i32>} : memref<32x1100xf32, #tpu.memory_space<vmem>>, vector<16xf32>,
      tpu.vector_store %arg4[%swap3A_468, %swap3A_469], %broadcast_in_dim3A_3 {strides = array<i32>} : memref<32x1100xf32, #tpu.memory_space<vmem>>, vector<16xf32>,
      %swap3A_471 = arith.index_cast %scan3A_95 : i32 to index
      %swap3A_472 = arith.constant 992 : index
      %swap3A_473 = tpu.vector_load %arg5[%swap3A_471, %swap3A_472] {strides = array<i32>} : memref<32x1100xf32, #tpu.memory_space<vmem>>, vector<16xf32>,
      tpu.vector_store %arg5[%swap3A_471, %swap3A_472], %broadcast_in_dim3A_3 {strides = array<i32>} : memref<32x1100xf32, #tpu.memory_space<vmem>>, vector<16xf32>,
    }
    %scan3A_14 = arith.constant 32 : i32
    %swap3A = arith.constant 0 : index
    %swap3A_15 = tpu.vector_load %arg6[%swap3A] {strides = array<i32>} : memref<32xi32, #tpu.memory_space<vmem>>, vector<16xi32>,
    tpu.vector_store %arg6[%swap3A], %broadcast_in_dim3A_7 {strides = array<i32>} : memref<32xi32, #tpu.memory_space<vmem>>, vector<16xi32>,
    %swap3A_16 = arith.constant 0 : index
    %swap3A_17 = tpu.vector_load %arg7[%swap3A_16] {strides = array<i32>} : memref<32xi32, #tpu.memory_space<vmem>>, vector<16xi32>,
    tpu.vector_store %arg7[%swap3A_16], %broadcast_in_dim3A_7 {strides = array<i32>} : memref<32xi32, #tpu.memory_space<vmem>>, vector<16xi32>,
    %swap3A_18 = arith.constant 16 : index
    %swap3A_19 = tpu.vector_load %arg6[%swap3A_18] {strides = array<i32>} : memref<32xi32, #tpu.memory_space<vmem>>, vector<16xi32>,
    tpu.vector_store %arg6[%swap3A_18], %broadcast_in_dim3A_7 {strides = array<i32>} : memref<32xi32, #tpu.memory_space<vmem>>, vector<16xi32>,
    %swap3A_20 = arith.constant 16 : index
    %swap3A_21 = tpu.vector_load %arg7[%swap3A_20] {strides = array<i32>} : memref<32xi32, #tpu.memory_space<vmem>>, vector<16xi32>,
    tpu.vector_store %arg7[%swap3A_20], %broadcast_in_dim3A_7 {strides = array<i32>} : memref<32xi32, #tpu.memory_space<vmem>>, vector<16xi32>,
    %add3A_22 = arith.constant 0 : i32
    %add3A_23 = arith.addi %mul3A_2, %add3A_22 : i32
    %add3A_24 = arith.constant 0 : i32
    %add3A_25 = vector.broadcast %add3A_24 : i32 to vector<16xi32>
    %add3A_26 = arith.addi %iota3A, %add3A_25 : vector<16xi32>
    %get3A = arith.constant 0 : index
    %get3A_27 = tpu.vector_load %arg6[%get3A] {strides = array<i32>} : memref<32xi32, #tpu.memory_space<vmem>>, vector<16xi32>,
    tpu.vector_store_idx %arg4[%add3A_26, %get3A_27], %broadcast_in_dim3A_3 : memref<32x1100xf32, #tpu.memory_space<vmem>>[vector<16xi32>, vector<16xi32>], vector<16xf32>,
    %add3A_28 = arith.constant 16 : i32
    %add3A_29 = vector.broadcast %add3A_28 : i32 to vector<16xi32>
    %add3A_30 = arith.addi %iota3A, %add3A_29 : vector<16xi32>
    %get3A_31 = arith.constant 16 : index
    %get3A_32 = tpu.vector_load %arg6[%get3A_31] {strides = array<i32>} : memref<32xi32, #tpu.memory_space<vmem>>, vector<16xi32>,
    tpu.vector_store_idx %arg4[%add3A_30, %get3A_32], %broadcast_in_dim3A_3 : memref<32x1100xf32, #tpu.memory_space<vmem>>[vector<16xi32>, vector<16xi32>], vector<16xf32>,
    "tpu.region"() ({
      %run_scoped3A = tpu.sem_alloc : memref<!tpu.dma_semaphore, #tpu.memory_space<semaphore_mem>>
      %dma_start3A_95 = arith.constant 0 : i32
      %dma_start3A_96 = arith.constant 1000 : i32
      %dma_start3A_97 = tpu.memref_slice %arg4[%dma_start3A_95, %dma_start3A_96] : memref<32x1100xf32, #tpu.memory_space<vmem>> -> memref<32x100xf32, #tpu.memory_space<vmem>>
      %dma_start3A_98 = arith.constant 0 : i32
      %dma_start3A_99 = tpu.memref_slice %arg2[%add3A_23, %dma_start3A_98] : memref<16384x100xf32, #tpu.memory_space<hbm>> -> memref<32x100xf32, #tpu.memory_space<hbm>>
      %dma_start3A_100 = arith.constant 0 : i32
      %dma_start3A_101 = arith.constant 1000 : i32
      %dma_start3A_102 = tpu.memref_slice %arg4[%dma_start3A_100, %dma_start3A_101] : memref<32x1100xf32, #tpu.memory_space<vmem>> -> memref<32x100xf32, #tpu.memory_space<vmem>>
      %dma_start3A_103 = arith.constant 0 : i32
      %dma_start3A_104 = tpu.memref_slice %arg2[%add3A_23, %dma_start3A_103] : memref<16384x100xf32, #tpu.memory_space<hbm>> -> memref<32x100xf32, #tpu.memory_space<hbm>>
      tpu.enqueue_dma source(%dma_start3A_104 : memref<32x100xf32, #tpu.memory_space<hbm>>) target(%dma_start3A_102 : memref<32x100xf32, #tpu.memory_space<vmem>>) target_semaphore(%run_scoped3A : memref<!tpu.dma_semaphore, #tpu.memory_space<semaphore_mem>>)
      %dma_wait3A_105 = arith.constant 0 : i32
      %dma_wait3A_106 = arith.constant 1000 : i32
      %dma_wait3A_107 = tpu.memref_slice %arg4[%dma_wait3A_105, %dma_wait3A_106] : memref<32x1100xf32, #tpu.memory_space<vmem>> -> memref<32x100xf32, #tpu.memory_space<vmem>>
      %dma_wait3A_108 = arith.constant 0 : i32
      %dma_wait3A_109 = tpu.memref_slice %arg2[%add3A_23, %dma_wait3A_108] : memref<16384x100xf32, #tpu.memory_space<hbm>> -> memref<32x100xf32, #tpu.memory_space<hbm>>
      %dma_wait3A_110 = arith.constant 0 : i32
      %dma_wait3A_111 = arith.constant 1000 : i32
      %dma_wait3A_112 = tpu.memref_slice %arg4[%dma_wait3A_110, %dma_wait3A_111] : memref<32x1100xf32, #tpu.memory_space<vmem>> -> memref<32x100xf32, #tpu.memory_space<vmem>>
      %dma_wait3A_113 = arith.constant 0 : i32
      %dma_wait3A_114 = tpu.memref_slice %arg2[%add3A_23, %dma_wait3A_113] : memref<16384x100xf32, #tpu.memory_space<hbm>> -> memref<32x100xf32, #tpu.memory_space<hbm>>
      tpu.wait_dma2 semaphore(%run_scoped3A : memref<!tpu.dma_semaphore, #tpu.memory_space<semaphore_mem>>) src(%dma_wait3A_114 : memref<32x100xf32, #tpu.memory_space<hbm>>) dst(%dma_wait3A_112 : memref<32x100xf32, #tpu.memory_space<vmem>>)
      tpu.yield
    }) : () -> ()
    %add3A_33 = arith.constant 0 : i32
    %add3A_34 = vector.broadcast %add3A_33 : i32 to vector<16xi32>
    %add3A_35 = arith.addi %iota3A, %add3A_34 : vector<16xi32>
    %gather3A = tpu.vector_load_idx %arg4[%add3A_35, %broadcast_in_dim3A_9] : memref<32x1100xf32, #tpu.memory_space<vmem>>[vector<16xi32>, vector<16xi32>], vector<16xf32>,
    %convert_element_type3A = arith.fptosi %gather3A : vector<16xf32> to vector<16xi32>
    %swap3A_36 = arith.constant 0 : index
    %swap3A_37 = tpu.vector_load %arg6[%swap3A_36] {strides = array<i32>} : memref<32xi32, #tpu.memory_space<vmem>>, vector<16xi32>,
    tpu.vector_store %arg6[%swap3A_36], %convert_element_type3A {strides = array<i32>} : memref<32xi32, #tpu.memory_space<vmem>>, vector<16xi32>,
    tpu.vector_store_idx %arg4[%add3A_35, %convert_element_type3A], %broadcast_in_dim3A_5 : memref<32x1100xf32, #tpu.memory_space<vmem>>[vector<16xi32>, vector<16xi32>], vector<16xf32>,
    %add3A_38 = arith.constant 16 : i32
    %add3A_39 = vector.broadcast %add3A_38 : i32 to vector<16xi32>
    %add3A_40 = arith.addi %iota3A, %add3A_39 : vector<16xi32>
    %gather3A_41 = tpu.vector_load_idx %arg4[%add3A_40, %broadcast_in_dim3A_9] : memref<32x1100xf32, #tpu.memory_space<vmem>>[vector<16xi32>, vector<16xi32>], vector<16xf32>,
    %convert_element_type3A_42 = arith.fptosi %gather3A_41 : vector<16xf32> to vector<16xi32>
    %swap3A_43 = arith.constant 16 : index
    %swap3A_44 = tpu.vector_load %arg6[%swap3A_43] {strides = array<i32>} : memref<32xi32, #tpu.memory_space<vmem>>, vector<16xi32>,
    tpu.vector_store %arg6[%swap3A_43], %convert_element_type3A_42 {strides = array<i32>} : memref<32xi32, #tpu.memory_space<vmem>>, vector<16xi32>,
    tpu.vector_store_idx %arg4[%add3A_40, %convert_element_type3A_42], %broadcast_in_dim3A_5 : memref<32x1100xf32, #tpu.memory_space<vmem>>[vector<16xi32>, vector<16xi32>], vector<16xf32>,
    %dma_start3A = arith.constant 0 : i32
    %dma_start3A_45 = tpu.memref_slice %arg3[%add3A_23, %dma_start3A] : memref<16384x1100xf32, #tpu.memory_space<hbm>> -> memref<32x1100xf32, #tpu.memory_space<hbm>>
    %dma_start3A_46 = arith.constant 0 : i32
    %dma_start3A_47 = tpu.memref_slice %arg3[%add3A_23, %dma_start3A_46] : memref<16384x1100xf32, #tpu.memory_space<hbm>> -> memref<32x1100xf32, #tpu.memory_space<hbm>>
    tpu.enqueue_dma source(%arg4 : memref<32x1100xf32, #tpu.memory_space<vmem>>) target(%dma_start3A_47 : memref<32x1100xf32, #tpu.memory_space<hbm>>) target_semaphore(%arg8 : memref<!tpu.dma_semaphore, #tpu.memory_space<semaphore_mem>>)
    %add3A_48 = arith.constant 32 : i32
    %add3A_49 = arith.addi %mul3A_2, %add3A_48 : i32
    %add3A_50 = arith.constant 0 : i32
    %add3A_51 = vector.broadcast %add3A_50 : i32 to vector<16xi32>
    %add3A_52 = arith.addi %iota3A, %add3A_51 : vector<16xi32>
    %get3A_53 = arith.constant 0 : index
    %get3A_54 = tpu.vector_load %arg7[%get3A_53] {strides = array<i32>} : memref<32xi32, #tpu.memory_space<vmem>>, vector<16xi32>,
    tpu.vector_store_idx %arg5[%add3A_52, %get3A_54], %broadcast_in_dim3A_3 : memref<32x1100xf32, #tpu.memory_space<vmem>>[vector<16xi32>, vector<16xi32>], vector<16xf32>,
    %add3A_55 = arith.constant 16 : i32
    %add3A_56 = vector.broadcast %add3A_55 : i32 to vector<16xi32>
    %add3A_57 = arith.addi %iota3A, %add3A_56 : vector<16xi32>
    %get3A_58 = arith.constant 16 : index
    %get3A_59 = tpu.vector_load %arg7[%get3A_58] {strides = array<i32>} : memref<32xi32, #tpu.memory_space<vmem>>, vector<16xi32>,
    tpu.vector_store_idx %arg5[%add3A_57, %get3A_59], %broadcast_in_dim3A_3 : memref<32x1100xf32, #tpu.memory_space<vmem>>[vector<16xi32>, vector<16xi32>], vector<16xf32>,
    "tpu.region"() ({
      %run_scoped3A = tpu.sem_alloc : memref<!tpu.dma_semaphore, #tpu.memory_space<semaphore_mem>>
      %dma_start3A_95 = arith.constant 0 : i32
      %dma_start3A_96 = arith.constant 1000 : i32
      %dma_start3A_97 = tpu.memref_slice %arg5[%dma_start3A_95, %dma_start3A_96] : memref<32x1100xf32, #tpu.memory_space<vmem>> -> memref<32x100xf32, #tpu.memory_space<vmem>>
      %dma_start3A_98 = arith.constant 0 : i32
      %dma_start3A_99 = tpu.memref_slice %arg2[%add3A_49, %dma_start3A_98] : memref<16384x100xf32, #tpu.memory_space<hbm>> -> memref<32x100xf32, #tpu.memory_space<hbm>>
      %dma_start3A_100 = arith.constant 0 : i32
      %dma_start3A_101 = arith.constant 1000 : i32
      %dma_start3A_102 = tpu.memref_slice %arg5[%dma_start3A_100, %dma_start3A_101] : memref<32x1100xf32, #tpu.memory_space<vmem>> -> memref<32x100xf32, #tpu.memory_space<vmem>>
      %dma_start3A_103 = arith.constant 0 : i32
      %dma_start3A_104 = tpu.memref_slice %arg2[%add3A_49, %dma_start3A_103] : memref<16384x100xf32, #tpu.memory_space<hbm>> -> memref<32x100xf32, #tpu.memory_space<hbm>>
      tpu.enqueue_dma source(%dma_start3A_104 : memref<32x100xf32, #tpu.memory_space<hbm>>) target(%dma_start3A_102 : memref<32x100xf32, #tpu.memory_space<vmem>>) target_semaphore(%run_scoped3A : memref<!tpu.dma_semaphore, #tpu.memory_space<semaphore_mem>>)
      %dma_wait3A_105 = arith.constant 0 : i32
      %dma_wait3A_106 = arith.constant 1000 : i32
      %dma_wait3A_107 = tpu.memref_slice %arg5[%dma_wait3A_105, %dma_wait3A_106] : memref<32x1100xf32, #tpu.memory_space<vmem>> -> memref<32x100xf32, #tpu.memory_space<vmem>>
      %dma_wait3A_108 = arith.constant 0 : i32
      %dma_wait3A_109 = tpu.memref_slice %arg2[%add3A_49, %dma_wait3A_108] : memref<16384x100xf32, #tpu.memory_space<hbm>> -> memref<32x100xf32, #tpu.memory_space<hbm>>
      %dma_wait3A_110 = arith.constant 0 : i32
      %dma_wait3A_111 = arith.constant 1000 : i32
      %dma_wait3A_112 = tpu.memref_slice %arg5[%dma_wait3A_110, %dma_wait3A_111] : memref<32x1100xf32, #tpu.memory_space<vmem>> -> memref<32x100xf32, #tpu.memory_space<vmem>>
      %dma_wait3A_113 = arith.constant 0 : i32
      %dma_wait3A_114 = tpu.memref_slice %arg2[%add3A_49, %dma_wait3A_113] : memref<16384x100xf32, #tpu.memory_space<hbm>> -> memref<32x100xf32, #tpu.memory_space<hbm>>
      tpu.wait_dma2 semaphore(%run_scoped3A : memref<!tpu.dma_semaphore, #tpu.memory_space<semaphore_mem>>) src(%dma_wait3A_114 : memref<32x100xf32, #tpu.memory_space<hbm>>) dst(%dma_wait3A_112 : memref<32x100xf32, #tpu.memory_space<vmem>>)
      tpu.yield
    }) : () -> ()
    %add3A_60 = arith.constant 0 : i32
    %add3A_61 = vector.broadcast %add3A_60 : i32 to vector<16xi32>
    %add3A_62 = arith.addi %iota3A, %add3A_61 : vector<16xi32>
    %gather3A_63 = tpu.vector_load_idx %arg5[%add3A_62, %broadcast_in_dim3A_9] : memref<32x1100xf32, #tpu.memory_space<vmem>>[vector<16xi32>, vector<16xi32>], vector<16xf32>,
    %convert_element_type3A_64 = arith.fptosi %gather3A_63 : vector<16xf32> to vector<16xi32>
    %swap3A_65 = arith.constant 0 : index
    %swap3A_66 = tpu.vector_load %arg7[%swap3A_65] {strides = array<i32>} : memref<32xi32, #tpu.memory_space<vmem>>, vector<16xi32>,
    tpu.vector_store %arg7[%swap3A_65], %convert_element_type3A_64 {strides = array<i32>} : memref<32xi32, #tpu.memory_space<vmem>>, vector<16xi32>,
    tpu.vector_store_idx %arg5[%add3A_62, %convert_element_type3A_64], %broadcast_in_dim3A_5 : memref<32x1100xf32, #tpu.memory_space<vmem>>[vector<16xi32>, vector<16xi32>], vector<16xf32>,
    %add3A_67 = arith.constant 16 : i32
    %add3A_68 = vector.broadcast %add3A_67 : i32 to vector<16xi32>
    %add3A_69 = arith.addi %iota3A, %add3A_68 : vector<16xi32>
    %gather3A_70 = tpu.vector_load_idx %arg5[%add3A_69, %broadcast_in_dim3A_9] : memref<32x1100xf32, #tpu.memory_space<vmem>>[vector<16xi32>, vector<16xi32>], vector<16xf32>,
    %convert_element_type3A_71 = arith.fptosi %gather3A_70 : vector<16xf32> to vector<16xi32>
    %swap3A_72 = arith.constant 16 : index
    %swap3A_73 = tpu.vector_load %arg7[%swap3A_72] {strides = array<i32>} : memref<32xi32, #tpu.memory_space<vmem>>, vector<16xi32>,
    tpu.vector_store %arg7[%swap3A_72], %convert_element_type3A_71 {strides = array<i32>} : memref<32xi32, #tpu.memory_space<vmem>>, vector<16xi32>,
    tpu.vector_store_idx %arg5[%add3A_69, %convert_element_type3A_71], %broadcast_in_dim3A_5 : memref<32x1100xf32, #tpu.memory_space<vmem>>[vector<16xi32>, vector<16xi32>], vector<16xf32>,
    %dma_start3A_74 = arith.constant 0 : i32
    %dma_start3A_75 = tpu.memref_slice %arg3[%add3A_49, %dma_start3A_74] : memref<16384x1100xf32, #tpu.memory_space<hbm>> -> memref<32x1100xf32, #tpu.memory_space<hbm>>
    %dma_start3A_76 = arith.constant 0 : i32
    %dma_start3A_77 = tpu.memref_slice %arg3[%add3A_49, %dma_start3A_76] : memref<16384x1100xf32, #tpu.memory_space<hbm>> -> memref<32x1100xf32, #tpu.memory_space<hbm>>
    tpu.enqueue_dma source(%arg5 : memref<32x1100xf32, #tpu.memory_space<vmem>>) target(%dma_start3A_77 : memref<32x1100xf32, #tpu.memory_space<hbm>>) target_semaphore(%arg9 : memref<!tpu.dma_semaphore, #tpu.memory_space<semaphore_mem>>)
    %scan3A_78 = arith.constant 0 : i32
    %scan3A_79 = arith.constant 1 : i32
    %scan3A_80 = arith.constant 7 : i32
    %scan3A_81 = arith.addi %scan3A_79, %scan3A_80 : i32
    %scan3A_82 = arith.constant 1 : i32
    scf.for %scan3A_95 = %scan3A_79 to %scan3A_81 step %scan3A_82  : i32 {
      %mul3A_96 = arith.constant 2 : i32
      %mul3A_97 = arith.muli %mul3A_96, %scan3A_95 : i32
      %mul3A_98 = arith.constant 32 : i32
      %mul3A_99 = arith.muli %mul3A_97, %mul3A_98 : i32
      %add3A_100 = arith.addi %mul3A_2, %mul3A_99 : i32
      %dma_wait3A_101 = arith.constant 0 : i32
      %dma_wait3A_102 = tpu.memref_slice %arg3[%add3A_100, %dma_wait3A_101] : memref<16384x1100xf32, #tpu.memory_space<hbm>> -> memref<32x1100xf32, #tpu.memory_space<hbm>>
      %dma_wait3A_103 = arith.constant 0 : i32
      %dma_wait3A_104 = tpu.memref_slice %arg3[%add3A_100, %dma_wait3A_103] : memref<16384x1100xf32, #tpu.memory_space<hbm>> -> memref<32x1100xf32, #tpu.memory_space<hbm>>
      tpu.wait_dma2 semaphore(%arg8 : memref<!tpu.dma_semaphore, #tpu.memory_space<semaphore_mem>>) src(%arg4 : memref<32x1100xf32, #tpu.memory_space<vmem>>) dst(%dma_wait3A_104 : memref<32x1100xf32, #tpu.memory_space<hbm>>)
      %add3A_105 = arith.constant 0 : i32
      %add3A_106 = vector.broadcast %add3A_105 : i32 to vector<16xi32>
      %add3A_107 = arith.addi %iota3A, %add3A_106 : vector<16xi32>
      %get3A_108 = arith.constant 0 : index
      %get3A_109 = tpu.vector_load %arg6[%get3A_108] {strides = array<i32>} : memref<32xi32, #tpu.memory_space<vmem>>, vector<16xi32>,
      tpu.vector_store_idx %arg4[%add3A_107, %get3A_109], %broadcast_in_dim3A_3 : memref<32x1100xf32, #tpu.memory_space<vmem>>[vector<16xi32>, vector<16xi32>], vector<16xf32>,
      %add3A_110 = arith.constant 16 : i32
      %add3A_111 = vector.broadcast %add3A_110 : i32 to vector<16xi32>
      %add3A_112 = arith.addi %iota3A, %add3A_111 : vector<16xi32>
      %get3A_113 = arith.constant 16 : index
      %get3A_114 = tpu.vector_load %arg6[%get3A_113] {strides = array<i32>} : memref<32xi32, #tpu.memory_space<vmem>>, vector<16xi32>,
      tpu.vector_store_idx %arg4[%add3A_112, %get3A_114], %broadcast_in_dim3A_3 : memref<32x1100xf32, #tpu.memory_space<vmem>>[vector<16xi32>, vector<16xi32>], vector<16xf32>,
      "tpu.region"() ({
        %run_scoped3A = tpu.sem_alloc : memref<!tpu.dma_semaphore, #tpu.memory_space<semaphore_mem>>
        %dma_start3A_172 = arith.constant 0 : i32
        %dma_start3A_173 = arith.constant 1000 : i32
        %dma_start3A_174 = tpu.memref_slice %arg4[%dma_start3A_172, %dma_start3A_173] : memref<32x1100xf32, #tpu.memory_space<vmem>> -> memref<32x100xf32, #tpu.memory_space<vmem>>
        %dma_start3A_175 = arith.constant 0 : i32
        %dma_start3A_176 = tpu.memref_slice %arg2[%add3A_100, %dma_start3A_175] : memref<16384x100xf32, #tpu.memory_space<hbm>> -> memref<32x100xf32, #tpu.memory_space<hbm>>
        %dma_start3A_177 = arith.constant 0 : i32
        %dma_start3A_178 = arith.constant 1000 : i32
        %dma_start3A_179 = tpu.memref_slice %arg4[%dma_start3A_177, %dma_start3A_178] : memref<32x1100xf32, #tpu.memory_space<vmem>> -> memref<32x100xf32, #tpu.memory_space<vmem>>
        %dma_start3A_180 = arith.constant 0 : i32
        %dma_start3A_181 = tpu.memref_slice %arg2[%add3A_100, %dma_start3A_180] : memref<16384x100xf32, #tpu.memory_space<hbm>> -> memref<32x100xf32, #tpu.memory_space<hbm>>
        tpu.enqueue_dma source(%dma_start3A_181 : memref<32x100xf32, #tpu.memory_space<hbm>>) target(%dma_start3A_179 : memref<32x100xf32, #tpu.memory_space<vmem>>) target_semaphore(%run_scoped3A : memref<!tpu.dma_semaphore, #tpu.memory_space<semaphore_mem>>)
        %dma_wait3A_182 = arith.constant 0 : i32
        %dma_wait3A_183 = arith.constant 1000 : i32
        %dma_wait3A_184 = tpu.memref_slice %arg4[%dma_wait3A_182, %dma_wait3A_183] : memref<32x1100xf32, #tpu.memory_space<vmem>> -> memref<32x100xf32, #tpu.memory_space<vmem>>
        %dma_wait3A_185 = arith.constant 0 : i32
        %dma_wait3A_186 = tpu.memref_slice %arg2[%add3A_100, %dma_wait3A_185] : memref<16384x100xf32, #tpu.memory_space<hbm>> -> memref<32x100xf32, #tpu.memory_space<hbm>>
        %dma_wait3A_187 = arith.constant 0 : i32
        %dma_wait3A_188 = arith.constant 1000 : i32
        %dma_wait3A_189 = tpu.memref_slice %arg4[%dma_wait3A_187, %dma_wait3A_188] : memref<32x1100xf32, #tpu.memory_space<vmem>> -> memref<32x100xf32, #tpu.memory_space<vmem>>
        %dma_wait3A_190 = arith.constant 0 : i32
        %dma_wait3A_191 = tpu.memref_slice %arg2[%add3A_100, %dma_wait3A_190] : memref<16384x100xf32, #tpu.memory_space<hbm>> -> memref<32x100xf32, #tpu.memory_space<hbm>>
        tpu.wait_dma2 semaphore(%run_scoped3A : memref<!tpu.dma_semaphore, #tpu.memory_space<semaphore_mem>>) src(%dma_wait3A_191 : memref<32x100xf32, #tpu.memory_space<hbm>>) dst(%dma_wait3A_189 : memref<32x100xf32, #tpu.memory_space<vmem>>)
        tpu.yield
      }) : () -> ()
      %add3A_115 = arith.constant 0 : i32
      %add3A_116 = vector.broadcast %add3A_115 : i32 to vector<16xi32>
      %add3A_117 = arith.addi %iota3A, %add3A_116 : vector<16xi32>
      %gather3A_118 = tpu.vector_load_idx %arg4[%add3A_117, %broadcast_in_dim3A_9] : memref<32x1100xf32, #tpu.memory_space<vmem>>[vector<16xi32>, vector<16xi32>], vector<16xf32>,
      %convert_element_type3A_119 = arith.fptosi %gather3A_118 : vector<16xf32> to vector<16xi32>
      %swap3A_120 = arith.constant 0 : index
      %swap3A_121 = tpu.vector_load %arg6[%swap3A_120] {strides = array<i32>} : memref<32xi32, #tpu.memory_space<vmem>>, vector<16xi32>,
      tpu.vector_store %arg6[%swap3A_120], %convert_element_type3A_119 {strides = array<i32>} : memref<32xi32, #tpu.memory_space<vmem>>, vector<16xi32>,
      tpu.vector_store_idx %arg4[%add3A_117, %convert_element_type3A_119], %broadcast_in_dim3A_5 : memref<32x1100xf32, #tpu.memory_space<vmem>>[vector<16xi32>, vector<16xi32>], vector<16xf32>,
      %add3A_122 = arith.constant 16 : i32
      %add3A_123 = vector.broadcast %add3A_122 : i32 to vector<16xi32>
      %add3A_124 = arith.addi %iota3A, %add3A_123 : vector<16xi32>
      %gather3A_125 = tpu.vector_load_idx %arg4[%add3A_124, %broadcast_in_dim3A_9] : memref<32x1100xf32, #tpu.memory_space<vmem>>[vector<16xi32>, vector<16xi32>], vector<16xf32>,
      %convert_element_type3A_126 = arith.fptosi %gather3A_125 : vector<16xf32> to vector<16xi32>
      %swap3A_127 = arith.constant 16 : index
      %swap3A_128 = tpu.vector_load %arg6[%swap3A_127] {strides = array<i32>} : memref<32xi32, #tpu.memory_space<vmem>>, vector<16xi32>,
      tpu.vector_store %arg6[%swap3A_127], %convert_element_type3A_126 {strides = array<i32>} : memref<32xi32, #tpu.memory_space<vmem>>, vector<16xi32>,
      tpu.vector_store_idx %arg4[%add3A_124, %convert_element_type3A_126], %broadcast_in_dim3A_5 : memref<32x1100xf32, #tpu.memory_space<vmem>>[vector<16xi32>, vector<16xi32>], vector<16xf32>,
      %dma_start3A_129 = arith.constant 0 : i32
      %dma_start3A_130 = tpu.memref_slice %arg3[%add3A_100, %dma_start3A_129] : memref<16384x1100xf32, #tpu.memory_space<hbm>> -> memref<32x1100xf32, #tpu.memory_space<hbm>>
      %dma_start3A_131 = arith.constant 0 : i32
      %dma_start3A_132 = tpu.memref_slice %arg3[%add3A_100, %dma_start3A_131] : memref<16384x1100xf32, #tpu.memory_space<hbm>> -> memref<32x1100xf32, #tpu.memory_space<hbm>>
      tpu.enqueue_dma source(%arg4 : memref<32x1100xf32, #tpu.memory_space<vmem>>) target(%dma_start3A_132 : memref<32x1100xf32, #tpu.memory_space<hbm>>) target_semaphore(%arg8 : memref<!tpu.dma_semaphore, #tpu.memory_space<semaphore_mem>>)
      %mul3A_133 = arith.constant 2 : i32
      %mul3A_134 = arith.muli %mul3A_133, %scan3A_95 : i32
      %add3A_135 = arith.constant 1 : i32
      %add3A_136 = arith.addi %mul3A_134, %add3A_135 : i32
      %mul3A_137 = arith.constant 32 : i32
      %mul3A_138 = arith.muli %add3A_136, %mul3A_137 : i32
      %add3A_139 = arith.addi %mul3A_2, %mul3A_138 : i32
      %dma_wait3A_140 = arith.constant 0 : i32
      %dma_wait3A_141 = tpu.memref_slice %arg3[%add3A_139, %dma_wait3A_140] : memref<16384x1100xf32, #tpu.memory_space<hbm>> -> memref<32x1100xf32, #tpu.memory_space<hbm>>
      %dma_wait3A_142 = arith.constant 0 : i32
      %dma_wait3A_143 = tpu.memref_slice %arg3[%add3A_139, %dma_wait3A_142] : memref<16384x1100xf32, #tpu.memory_space<hbm>> -> memref<32x1100xf32, #tpu.memory_space<hbm>>
      tpu.wait_dma2 semaphore(%arg9 : memref<!tpu.dma_semaphore, #tpu.memory_space<semaphore_mem>>) src(%arg5 : memref<32x1100xf32, #tpu.memory_space<vmem>>) dst(%dma_wait3A_143 : memref<32x1100xf32, #tpu.memory_space<hbm>>)
      %add3A_144 = arith.constant 0 : i32
      %add3A_145 = vector.broadcast %add3A_144 : i32 to vector<16xi32>
      %add3A_146 = arith.addi %iota3A, %add3A_145 : vector<16xi32>
      %get3A_147 = arith.constant 0 : index
      %get3A_148 = tpu.vector_load %arg7[%get3A_147] {strides = array<i32>} : memref<32xi32, #tpu.memory_space<vmem>>, vector<16xi32>,
      tpu.vector_store_idx %arg5[%add3A_146, %get3A_148], %broadcast_in_dim3A_3 : memref<32x1100xf32, #tpu.memory_space<vmem>>[vector<16xi32>, vector<16xi32>], vector<16xf32>,
      %add3A_149 = arith.constant 16 : i32
      %add3A_150 = vector.broadcast %add3A_149 : i32 to vector<16xi32>
      %add3A_151 = arith.addi %iota3A, %add3A_150 : vector<16xi32>
      %get3A_152 = arith.constant 16 : index
      %get3A_153 = tpu.vector_load %arg7[%get3A_152] {strides = array<i32>} : memref<32xi32, #tpu.memory_space<vmem>>, vector<16xi32>,
      tpu.vector_store_idx %arg5[%add3A_151, %get3A_153], %broadcast_in_dim3A_3 : memref<32x1100xf32, #tpu.memory_space<vmem>>[vector<16xi32>, vector<16xi32>], vector<16xf32>,
      "tpu.region"() ({
        %run_scoped3A = tpu.sem_alloc : memref<!tpu.dma_semaphore, #tpu.memory_space<semaphore_mem>>
        %dma_start3A_172 = arith.constant 0 : i32
        %dma_start3A_173 = arith.constant 1000 : i32
        %dma_start3A_174 = tpu.memref_slice %arg5[%dma_start3A_172, %dma_start3A_173] : memref<32x1100xf32, #tpu.memory_space<vmem>> -> memref<32x100xf32, #tpu.memory_space<vmem>>
        %dma_start3A_175 = arith.constant 0 : i32
        %dma_start3A_176 = tpu.memref_slice %arg2[%add3A_139, %dma_start3A_175] : memref<16384x100xf32, #tpu.memory_space<hbm>> -> memref<32x100xf32, #tpu.memory_space<hbm>>
        %dma_start3A_177 = arith.constant 0 : i32
        %dma_start3A_178 = arith.constant 1000 : i32
        %dma_start3A_179 = tpu.memref_slice %arg5[%dma_start3A_177, %dma_start3A_178] : memref<32x1100xf32, #tpu.memory_space<vmem>> -> memref<32x100xf32, #tpu.memory_space<vmem>>
        %dma_start3A_180 = arith.constant 0 : i32
        %dma_start3A_181 = tpu.memref_slice %arg2[%add3A_139, %dma_start3A_180] : memref<16384x100xf32, #tpu.memory_space<hbm>> -> memref<32x100xf32, #tpu.memory_space<hbm>>
        tpu.enqueue_dma source(%dma_start3A_181 : memref<32x100xf32, #tpu.memory_space<hbm>>) target(%dma_start3A_179 : memref<32x100xf32, #tpu.memory_space<vmem>>) target_semaphore(%run_scoped3A : memref<!tpu.dma_semaphore, #tpu.memory_space<semaphore_mem>>)
        %dma_wait3A_182 = arith.constant 0 : i32
        %dma_wait3A_183 = arith.constant 1000 : i32
        %dma_wait3A_184 = tpu.memref_slice %arg5[%dma_wait3A_182, %dma_wait3A_183] : memref<32x1100xf32, #tpu.memory_space<vmem>> -> memref<32x100xf32, #tpu.memory_space<vmem>>
        %dma_wait3A_185 = arith.constant 0 : i32
        %dma_wait3A_186 = tpu.memref_slice %arg2[%add3A_139, %dma_wait3A_185] : memref<16384x100xf32, #tpu.memory_space<hbm>> -> memref<32x100xf32, #tpu.memory_space<hbm>>
        %dma_wait3A_187 = arith.constant 0 : i32
        %dma_wait3A_188 = arith.constant 1000 : i32
        %dma_wait3A_189 = tpu.memref_slice %arg5[%dma_wait3A_187, %dma_wait3A_188] : memref<32x1100xf32, #tpu.memory_space<vmem>> -> memref<32x100xf32, #tpu.memory_space<vmem>>
        %dma_wait3A_190 = arith.constant 0 : i32
        %dma_wait3A_191 = tpu.memref_slice %arg2[%add3A_139, %dma_wait3A_190] : memref<16384x100xf32, #tpu.memory_space<hbm>> -> memref<32x100xf32, #tpu.memory_space<hbm>>
        tpu.wait_dma2 semaphore(%run_scoped3A : memref<!tpu.dma_semaphore, #tpu.memory_space<semaphore_mem>>) src(%dma_wait3A_191 : memref<32x100xf32, #tpu.memory_space<hbm>>) dst(%dma_wait3A_189 : memref<32x100xf32, #tpu.memory_space<vmem>>)
        tpu.yield
      }) : () -> ()
      %add3A_154 = arith.constant 0 : i32
      %add3A_155 = vector.broadcast %add3A_154 : i32 to vector<16xi32>
      %add3A_156 = arith.addi %iota3A, %add3A_155 : vector<16xi32>
      %gather3A_157 = tpu.vector_load_idx %arg5[%add3A_156, %broadcast_in_dim3A_9] : memref<32x1100xf32, #tpu.memory_space<vmem>>[vector<16xi32>, vector<16xi32>], vector<16xf32>,
      %convert_element_type3A_158 = arith.fptosi %gather3A_157 : vector<16xf32> to vector<16xi32>
      %swap3A_159 = arith.constant 0 : index
      %swap3A_160 = tpu.vector_load %arg7[%swap3A_159] {strides = array<i32>} : memref<32xi32, #tpu.memory_space<vmem>>, vector<16xi32>,
      tpu.vector_store %arg7[%swap3A_159], %convert_element_type3A_158 {strides = array<i32>} : memref<32xi32, #tpu.memory_space<vmem>>, vector<16xi32>,
      tpu.vector_store_idx %arg5[%add3A_156, %convert_element_type3A_158], %broadcast_in_dim3A_5 : memref<32x1100xf32, #tpu.memory_space<vmem>>[vector<16xi32>, vector<16xi32>], vector<16xf32>,
      %add3A_161 = arith.constant 16 : i32
      %add3A_162 = vector.broadcast %add3A_161 : i32 to vector<16xi32>
      %add3A_163 = arith.addi %iota3A, %add3A_162 : vector<16xi32>
      %gather3A_164 = tpu.vector_load_idx %arg5[%add3A_163, %broadcast_in_dim3A_9] : memref<32x1100xf32, #tpu.memory_space<vmem>>[vector<16xi32>, vector<16xi32>], vector<16xf32>,
      %convert_element_type3A_165 = arith.fptosi %gather3A_164 : vector<16xf32> to vector<16xi32>
      %swap3A_166 = arith.constant 16 : index
      %swap3A_167 = tpu.vector_load %arg7[%swap3A_166] {strides = array<i32>} : memref<32xi32, #tpu.memory_space<vmem>>, vector<16xi32>,
      tpu.vector_store %arg7[%swap3A_166], %convert_element_type3A_165 {strides = array<i32>} : memref<32xi32, #tpu.memory_space<vmem>>, vector<16xi32>,
      tpu.vector_store_idx %arg5[%add3A_163, %convert_element_type3A_165], %broadcast_in_dim3A_5 : memref<32x1100xf32, #tpu.memory_space<vmem>>[vector<16xi32>, vector<16xi32>], vector<16xf32>,
      %dma_start3A_168 = arith.constant 0 : i32
      %dma_start3A_169 = tpu.memref_slice %arg3[%add3A_139, %dma_start3A_168] : memref<16384x1100xf32, #tpu.memory_space<hbm>> -> memref<32x1100xf32, #tpu.memory_space<hbm>>
      %dma_start3A_170 = arith.constant 0 : i32
      %dma_start3A_171 = tpu.memref_slice %arg3[%add3A_139, %dma_start3A_170] : memref<16384x1100xf32, #tpu.memory_space<hbm>> -> memref<32x1100xf32, #tpu.memory_space<hbm>>
      tpu.enqueue_dma source(%arg5 : memref<32x1100xf32, #tpu.memory_space<vmem>>) target(%dma_start3A_171 : memref<32x1100xf32, #tpu.memory_space<hbm>>) target_semaphore(%arg9 : memref<!tpu.dma_semaphore, #tpu.memory_space<semaphore_mem>>)
    }
    %scan3A_83 = arith.constant 7 : i32
    %add3A_84 = arith.constant 448 : i32
    %add3A_85 = arith.addi %mul3A_2, %add3A_84 : i32
    %add3A_86 = arith.constant 480 : i32
    %add3A_87 = arith.addi %mul3A_2, %add3A_86 : i32
    %dma_wait3A = arith.constant 0 : i32
    %dma_wait3A_88 = tpu.memref_slice %arg3[%add3A_85, %dma_wait3A] : memref<16384x1100xf32, #tpu.memory_space<hbm>> -> memref<32x1100xf32, #tpu.memory_space<hbm>>
    %dma_wait3A_89 = arith.constant 0 : i32
    %dma_wait3A_90 = tpu.memref_slice %arg3[%add3A_85, %dma_wait3A_89] : memref<16384x1100xf32, #tpu.memory_space<hbm>> -> memref<32x1100xf32, #tpu.memory_space<hbm>>
    tpu.wait_dma2 semaphore(%arg8 : memref<!tpu.dma_semaphore, #tpu.memory_space<semaphore_mem>>) src(%arg4 : memref<32x1100xf32, #tpu.memory_space<vmem>>) dst(%dma_wait3A_90 : memref<32x1100xf32, #tpu.memory_space<hbm>>)
    %dma_wait3A_91 = arith.constant 0 : i32
    %dma_wait3A_92 = tpu.memref_slice %arg3[%add3A_87, %dma_wait3A_91] : memref<16384x1100xf32, #tpu.memory_space<hbm>> -> memref<32x1100xf32, #tpu.memory_space<hbm>>
    %dma_wait3A_93 = arith.constant 0 : i32
    %dma_wait3A_94 = tpu.memref_slice %arg3[%add3A_87, %dma_wait3A_93] : memref<16384x1100xf32, #tpu.memory_space<hbm>> -> memref<32x1100xf32, #tpu.memory_space<hbm>>
    tpu.wait_dma2 semaphore(%arg9 : memref<!tpu.dma_semaphore, #tpu.memory_space<semaphore_mem>>) src(%arg5 : memref<32x1100xf32, #tpu.memory_space<vmem>>) dst(%dma_wait3A_94 : memref<32x1100xf32, #tpu.memory_space<hbm>>)
    return
  }
}

</mosaic_0001>

<sc_bundles>
// kernel: kernel.3.cloned.1.call-start
scs
__scs_entry_jumppad:
0x0: {  	(pc) =	sbr.rel $0x88, $3  }
0x1: {  	(tag) =	ssettag $0x0;
	lr =	simm.s32 $0x1  }
0x2: {  	[smem:$0x3FA0] =	sst lr;
	_ =	strace $0xD0000000  }
0x3: {  	_ = 	snop  }
0x4: {  	_ = 	snop  }
0x5: {  	_ = 	snop  }
0x6: {  	_ = 	snop  }
0x7: {  	_ = 	snop  }
__scs_overlays_trampoline_lowered:
0x8: {  	[smem:$0x3FAF] =	sst s0  }
0x9: {  	[smem:$0x3FB0] =	sst s1  }
0xa: {  	[smem:$0x3FB1] =	sst s2  }
0xb: {  	[smem:$0x3FB2] =	sst s3  }
0xc: {  	[smem:$0x3FB3] =	sst s4  }
0xd: {  	[smem:$0x3FB4] =	sst s5  }
0xe: {  	[smem:$0x3FB5] =	sst s6  }
0xf: {  	[smem:$0x3FB6] =	sst s7  }
0x10: {  	[smem:$0x3FB7] =	sst s8  }
0x11: {  	[smem:$0x3FB8] =	sst s9;
	s0 =	simm.s32 @!p0 $0x0  }
0x12: {  	s1 =	sld [smem:$0x3F9E];
	s0 =	simm.s32 @p0 $0x1  }
0x13: {  	[smem:$0x3FB9] =	sst s0;
	s0 =	simm.s32 @!p1 $0x0  }
0x14: {  	s2 =	sld [smem:$0x3F9D];
	s0 =	simm.s32 @p1 $0x1  }
0x15: {  	[smem:$0x3FBA] =	sst s0;
	s0 =	simm.s32 @!p2 $0x0  }
0x16: {  	s3 =	sld [smem:$0x3FDB];
	s0 =	simm.s32 @p2 $0x1  }
0x17: {  	s4 =	simm.s32 $0x1BF5;
	[smem:$0x3FBC] =	sst s0  }
0x18: {  	s0 =	sld [smem:$0x3F9F];
	_ =	swait.ge [sflag:s4], $0x0  }
0x19: {  	s7 =	sld [smem:$0x3FA0]  }
0x1a: {  	s8 =	sadd.s32 $0xFFFFE003, lr  }
0x1b: {  	s9 =	sadd.s32 $0xFFFFFEF7, lr;
	s5 =	simm.s32 $0xFFFFFFFF;
	p2 =	slt.u32 s8, $0xFFFFF086  }
0x1c: {  	p1 =	slt.u32 s9, $0xF7A;
	s5 =	simm.s32 @!p2 $0x0  }
0x1d: {  	s5 =	simm.s32 @p1 $0x1;
	p0 =	seq.s32 s7, s2  }
0x1e: {  	s7 =	smul.u32 @!p0 $0xF7A, s2;
	p2 =	seq.s32 @!p0 s5, $0x0  }
0x1f: {  	s9 =	smul.u32 $0xF7A, s1;
	s8 =	simm.s32 @!p0 $0x1BF5;
	p2 =	por !p2, p0  }
0x20: {  	[sflag:s8] =	ssyncset.s32 @!p0 $0xFFFFF086;
	s6 =	sadd.s32 @!p0 s3, s7;
	s7 =	simm.s32 @!p0 $0x108  }
0x21: {  	s3 =	sadd.s32 s3, s9;
	s6 =	sadd.s32 @!p0 $0x88, s6;
	s7 =	simm.s32 @p2 $0x1082  }
0x22: {  	[simem:s7], [sflag:s8] =	dma.local @!p0 [hbm:s6], $0xF7A  }
0x23: {  	s9 =	sor.u32 $0xD0000000, s2;
	s6 =	simm.s32 $0x108;
	_ =	swait.ge @!p0 [sflag:s8], $0x0  }
0x24: {  	s3 =	sadd.s32 $0x88, s3;
	s6 =	simm.s32 @!p1 $0x1082;
	[sflag:s4] =	ssyncset.s32 $0xFFFFF086  }
0x25: {  	[simem:s6], [sflag:s4] =	dma.local [hbm:s3], $0xF7A  }
0x26: {  	[smem:$0x3FA0] =	sst s1;
	(tag) =	ssettag s2;
	_ =	strace s9  }
0x27: {  	s1 =	sld [smem:$0x3FB0]  }
0x28: {  	s2 =	sld [smem:$0x3FB1]  }
0x29: {  	s4 =	sld [smem:$0x3FB3]  }
0x2a: {  	p0 =	seq.s32 s5, $0x0;
	s5 =	sld [smem:$0x3FB4]  }
0x2b: {  	s6 =	sld [smem:$0x3FB5]  }
0x2c: {  	s7 =	sld [smem:$0x3FB6]  }
0x2d: {  	s3 =	simm.s32 $0x108;
	s8 =	sld [smem:$0x3FB7]  }
0x2e: {  	s3 =	simm.s32 @!p0 $0x1082;
	s9 =	sld [smem:$0x3FB8]  }
0x2f: {  	lr =	sadd.s32 s0, s3;
	s0 =	sld [smem:$0x3FAF]  }
0x30: {  	s3 =	sld [smem:$0x3FB2]  }
0x31: {  	[smem:$0x3FBB] =	sst s10  }
0x32: {  	s10 =	sld [smem:$0x3FB9];
	_ =	sdelay $0x3  }
0x33: {  	p0 =	seq.s32 s10, $0x1;
	s10 =	sld [smem:$0x3FBB];
	_ =	sdelay $0x3  }
0x34: {  	[smem:$0x3FBB] =	sst s10  }
0x35: {  	s10 =	sld [smem:$0x3FBA];
	_ =	sdelay $0x3  }
0x36: {  	p1 =	seq.s32 s10, $0x1;
	s10 =	sld [smem:$0x3FBB];
	_ =	sdelay $0x3  }
0x37: {  	[smem:$0x3FBB] =	sst s10  }
0x38: {  	s10 =	sld [smem:$0x3FBC]  }
0x39: {  	_ = 	snop;
	(pc) =	sbr.ind lr, $3  }
0x3a: {  	_ = 	snop  }
0x3b: {  	_ = 	snop  }
0x3c: {  	p2 =	seq.s32 s10, $0x1;
	s10 =	sld [smem:$0x3FBB]  }
0x3d: {  	_ =	shalt  }
0x3e: {  	_ =	shalt  }
0x3f: {  	_ =	shalt  }
0x40: {  	_ =	shalt  }
0x41: {  	_ =	shalt  }
0x42: {  	_ =	shalt  }
0x43: {  	_ =	shalt  }
0x44: {  	_ =	shalt  }
0x45: {  	_ =	shalt  }
0x46: {  	_ =	shalt  }
0x47: {  	_ =	shalt  }
0x48: {  	_ =	shalt  }
0x49: {  	_ =	shalt  }
0x4a: {  	_ =	shalt  }
0x4b: {  	_ =	shalt  }
0x4c: {  	_ =	shalt  }
0x4d: {  	_ =	shalt  }
0x4e: {  	_ =	shalt  }
0x4f: {  	_ =	shalt  }
0x50: {  	_ =	shalt  }
0x51: {  	_ =	shalt  }
0x52: {  	_ =	shalt  }
0x53: {  	_ =	shalt  }
0x54: {  	_ =	shalt  }
0x55: {  	_ =	shalt  }
0x56: {  	_ =	shalt  }
0x57: {  	_ =	shalt  }
0x58: {  	_ =	shalt  }
0x59: {  	_ =	shalt  }
0x5a: {  	_ =	shalt  }
0x5b: {  	_ =	shalt  }
0x5c: {  	_ =	shalt  }
0x5d: {  	_ =	shalt  }
0x5e: {  	_ =	shalt  }
0x5f: {  	_ =	shalt  }
0x60: {  	_ =	shalt  }
0x61: {  	_ =	shalt  }
0x62: {  	_ =	shalt  }
0x63: {  	_ =	shalt  }
0x64: {  	_ =	shalt  }
0x65: {  	_ =	shalt  }
0x66: {  	_ =	shalt  }
0x67: {  	_ =	shalt  }
0x68: {  	_ =	shalt  }
0x69: {  	_ =	shalt  }
0x6a: {  	_ =	shalt  }
0x6b: {  	_ =	shalt  }
0x6c: {  	_ =	shalt  }
0x6d: {  	_ =	shalt  }
0x6e: {  	_ =	shalt  }
0x6f: {  	_ =	shalt  }
0x70: {  	_ =	shalt  }
0x71: {  	_ =	shalt  }
0x72: {  	_ =	shalt  }
0x73: {  	_ =	shalt  }
0x74: {  	_ =	shalt  }
0x75: {  	_ =	shalt  }
0x76: {  	_ =	shalt  }
0x77: {  	_ =	shalt  }
0x78: {  	_ =	shalt  }
0x79: {  	_ =	shalt  }
0x7a: {  	_ =	shalt  }
0x7b: {  	_ =	shalt  }
0x7c: {  	_ =	shalt  }
0x7d: {  	_ =	shalt  }
0x7e: {  	_ =	shalt  }
0x7f: {  	_ =	shalt  }
0x80: {  	_ =	shalt  }
0x81: {  	_ =	shalt  }
0x82: {  	_ =	shalt  }
0x83: {  	_ =	shalt  }
0x84: {  	_ =	shalt  }
0x85: {  	_ =	shalt  }
0x86: {  	_ =	shalt  }
0x87: {  	_ =	shalt  }
.Lfunc_end0:
.L_simem_size_0:
called_computation.1_lowered:
.L_overlay_start_0:
0x88: {  	s2 =	sld [smem:$0x3FD9]  }
0x89: {  	s3 =	sld [smem:$0x3FFE];
	_ =	sdelay $0x1  }
0x8a: {  	s1 =	srdreg.scid  }
0x8b: {  	s0 =	sand.u32 $0x1, s1  }
0x8c: {  	s17 =	sshll.u32 s0, $0xA;
	s2 =	sadd.s32 s3, s2  }
0x8d: {  	s2 =	sadd.s32 s2, s17  }
0x8e: {  	[smem:$0x3FC7] =	sst s2  }
0x8f: {  	_ = 	snop  }
0x90: {  	s2 =	sld [smem:$0x3FD0];
	(tm) =	ssettm $0x1  }
0x91: {  	s18 =	sld [smem:$0x3FFB];
	_ =	sdelay $0x3  }
0x92: {  	_ =	strace s18  }
0x93: {  	s3 =	sld [smem:$0x3FFC];
	_ =	sdelay $0x3  }
0x94: {  	_ =	strace s3  }
0x95: {  	s3 =	sld [smem:$0x3FFD];
	_ =	sdelay $0x3  }
0x96: {  	_ =	strace s3  }
0x97: {  	_ =	strace $0x8FFFFFFF  }
0x98: {  	s19 =	sld [smem:$0x3FDB];
	_ =	sdelay $0x1  }
0x99: {  	s4 =	simm.s32 $_scs_section_size  }
0x9a: {  	s5 =	simm.s32 $_size__tile_overlayer_lowered;
	s6 =	simm.s32 $_tile_overlayer_lowered  }
0x9b: {  	s22 =	simm.s32 $0x1BFF;
	s21 =	sshll.u32 s6, $0x1;
	s3 =	sadd.s32 s4, s19  }
0x9c: {  	s7 =	simm.s32 $0x0;
	s20 =	sshll.u32 s5, $0x1;
	s5 =	sadd.s32 s21, s3  }
0x9d: {  	[timem:s7], [sflag:s22] =	dma.local [hbm:s5], s20  }
0x9e: {  	_ =	swait.ge [sflag:s22], s20  }
0x9f: {  	s4 =	ssub.s32 $0x0, s20;
	[sflag:s22] =	ssyncset.done $0x0  }
0xa0: {  	[sflag:s22] =	ssyncadd.s32 s4;
	_ =	sdelay $0x1  }
0xa1: {  	s23 =	simm.s32 $0x1B8B  }
0xa2: {  	_ =	swait.ge [sflag:s23], $0x1  }
0xa3: {  	[sflag:s23] =	ssyncset.done $0x0  }
0xa4: {  	s25 =	simm.s32 $0x1B8E;
	s24 =	sld [smem:$0x3FFE];
	[sflag:s23] =	ssyncadd.s32 $0xFFFFFFFF  }
0xa5: {  	s26 =	simm.s32 $execute0_lowered;
	[smem:$0x3FD2] =	sst s25  }
0xa6: {  	s5 =	sshll.u32 s26, $0x1;
	_ =	strace $0x80000046;
	[dreg:$0x1] =	wrdreg $0xFFFFFFFF  }
0xa7: {  	s28 =	simm.s32 $_size_execute0_lowered;
	s3 =	sadd.s32 s3, s5;
	[dreg:$0x0] =	wrdreg $0x0  }
0xa8: {  	s5 =	sshll.u32 s28, $0x1;
	[dreg:$0x2] =	wrdreg s3  }
0xa9: {  	[dreg:$0x3] =	wrdreg s5  }
0xaa: {  	[dreg:$0x4] =	wrdreg $0xC0  }
0xab: {  	_ =	task [dreg:s7], $0x5FFFF  }
0xac: {  	[dreg:$0x1] =	wrdreg $0xFFFFFFFF  }
0xad: {  	[dreg:$0x0] =	wrdreg $0x60  }
0xae: {  	[dreg:$0x2] =	wrdreg s24  }
0xaf: {  	[dreg:$0x3] =	wrdreg s2  }
0xb0: {  	[dreg:$0x4] =	wrdreg $0x9  }
0xb1: {  	_ =	task.clear_ibuf [dreg:s7], $0x5FFFF;
	_ =	strace $0x90000046  }
0xb2: {  	s29 =	simm.s32 $0x9;
	_ =	strace $0x80000048  }
0xb3: {  	_ =	swait.ge [sflag:s29], $0x1  }
0xb4: {  	[sflag:s29] =	ssyncadd.s32 $0xFFFFFFFF  }
0xb5: {  	_ =	strace $0x90000048  }
0xb6: {  	_ =	sfence  }
0xb7: {  	s30 =	sld [smem:$0x0];
	_ =	sdelay $0x2  }
0xb8: {  	s31 =	sshll.u32 s1, $0xD;
	s1 =	sshrl.u32 s1, $0x2  }
0xb9: {  	s3 =	sand.u32 $0x4000, s31;
	s1 =	sadd.s32 s1, s30  }
0xba: {  	s0 =	sor.u32 s3, s0;
	s1 =	sshll.u32 s1, $0x11  }
0xbb: {  	s0 =	sor.u32 s1, s0  }
0xbc: {  	s0 =	sadd.s32 $0x8F2B, s0  }
0xbd: {  	[sflag:s0] =	ssyncadd.remote.s32 $0x1  }
0xbe: {  	_ =	sfence.sel $0xFFFF  }
0xbf: {  	[dreg:$0x0] =	wrdreg $0xFFFFFFFF;
	(pc) =	sbr.abs _section_cstart, $3  }
0xc0: {  	[dreg:$0x1] =	wrdreg $0xFFFFFFFF  }
0xc1: {  	_ =	task.clear_ibuf [dreg:s7], $0x2FFFF;
	_ =	strace $0x9FFFFFFF  }
0xc2: {  	(tm) =	ssettm $0x7FFFFFFF  }
0xc3: {  	_ =	shalt  }
tec
execute0_lowered:
.L_overlay_start_1:
0x0: {  	(tag) =	ssettag $0x1  }
0x1: {  	s1 =	srdreg.scid;
	s6 =	rddreg [dreg:$0x0]  }
0x2: {  	s0 =	stileid.u32;
	s2 =	rddreg [dreg:$0x1]  }
0x3: {  	s4 =	simm.s32 $0x0;
	s12 =	simm.s32 $0x8A00;
	s5 =	sand.u32 $0x1, s1  }
0x4: {  	s13 =	simm.s32 $0x1;
	s30 =	sshll.u32 s0, $0xA;
	s3 =	sshll.u32 s5, $0x9  }
0x5: {  	s14 =	simm.s32 $0x2;
	s1 =	rddreg [dreg:$0x2];
	s3 =	sor.u32 s3, s30  }
0x6: {  	s15 =	simm.s32 $0x0;
	[smem:$0x7FF] =	sst s4;
	s7 =	smul.u32 $0xD, s3  }
0x7: {  	s10 =	ssub.s32 $0x2, s5;
	s8 =	smul.u32 $0x8A, s3;
	s9 =	sor.u32 $0x20, s3  }
0x8: {  	v0 =	vlaneseq.u32;
	s5 =	sadd.s32 $0x800, s6;
	s31 =	sshrl.u32 s10, $0x1;
	s11 =	smul.u32 $0xD, s9  }
0x9: {  	v0 =	vmul.u32 $0x450, v0;
	_ =	strace $0x80000047;
	s10 =	ssub.s32 s10, s31;
	s9 =	smul.u32 $0x8A, s9  }
0xa: {  	v1 =	vimm.f32 $0.0e+00;
	v2 =	vimm.s32 $0x0;
	v5 =	vimm.f32 $1.000000000e+00;
	s10 =	smax.u32 s10, $0x1;
	s6 =	sadd.s32 s5, s7;
	s7 =	sadd.s32 s2, s8  }
0xb: {  	v3 =	vadd.s32 $0x4500, v0;
	v4 =	vadd.s32 $0x3E8, v0;
	v6 =	vadd.s32 $0x48E8, v0;
	s8 =	sadd.s32 s5, s11;
	s9 =	sadd.s32 s2, s9;
	s11 =	simm.s32 $0x3  }
.LBB2_1:
0xc: {  	s16 =	simm.s32 $0x0;
	s17 =	simm.s32 $0x1140  }
.LBB2_2:
0xd: {  	p0 =	sne.s32 s17, $0x216C0;
	[tilespmem:s16+$0x8DE0] =	vst v1  }
0xe: {  	[tilespmem:s16+$0x0] =	vst v1  }
0xf: {  	[tilespmem:s16+$0x8A00] =	vst v1  }
0x10: {  	[tilespmem:s16+$0x10] =	vst v1  }
0x11: {  	[tilespmem:s16+$0x8A10] =	vst v1  }
0x12: {  	[tilespmem:s16+$0x20] =	vst v1  }
0x13: {  	[tilespmem:s16+$0x8A20] =	vst v1  }
0x14: {  	[tilespmem:s16+$0x30] =	vst v1  }
0x15: {  	[tilespmem:s16+$0x8A30] =	vst v1  }
0x16: {  	[tilespmem:s16+$0x40] =	vst v1  }
0x17: {  	[tilespmem:s16+$0x8A40] =	vst v1  }
0x18: {  	[tilespmem:s16+$0x50] =	vst v1  }
0x19: {  	[tilespmem:s16+$0x8A50] =	vst v1  }
0x1a: {  	[tilespmem:s16+$0x60] =	vst v1  }
0x1b: {  	[tilespmem:s16+$0x8A60] =	vst v1  }
0x1c: {  	[tilespmem:s16+$0x70] =	vst v1  }
0x1d: {  	[tilespmem:s16+$0x8A70] =	vst v1  }
0x1e: {  	[tilespmem:s16+$0x80] =	vst v1  }
0x1f: {  	[tilespmem:s16+$0x8A80] =	vst v1  }
0x20: {  	[tilespmem:s16+$0x90] =	vst v1  }
0x21: {  	[tilespmem:s16+$0x8A90] =	vst v1  }
0x22: {  	[tilespmem:s16+$0xA0] =	vst v1  }
0x23: {  	[tilespmem:s16+$0x8AA0] =	vst v1  }
0x24: {  	[tilespmem:s16+$0xB0] =	vst v1  }
0x25: {  	[tilespmem:s16+$0x8AB0] =	vst v1  }
0x26: {  	[tilespmem:s16+$0xC0] =	vst v1  }
0x27: {  	[tilespmem:s16+$0x8AC0] =	vst v1  }
0x28: {  	[tilespmem:s16+$0xD0] =	vst v1  }
0x29: {  	[tilespmem:s16+$0x8AD0] =	vst v1  }
0x2a: {  	[tilespmem:s16+$0xE0] =	vst v1  }
0x2b: {  	[tilespmem:s16+$0x8AE0] =	vst v1  }
0x2c: {  	[tilespmem:s16+$0xF0] =	vst v1  }
0x2d: {  	[tilespmem:s16+$0x8AF0] =	vst v1  }
0x2e: {  	[tilespmem:s16+$0x100] =	vst v1  }
0x2f: {  	[tilespmem:s16+$0x8B00] =	vst v1  }
0x30: {  	[tilespmem:s16+$0x110] =	vst v1  }
0x31: {  	[tilespmem:s16+$0x8B10] =	vst v1  }
0x32: {  	[tilespmem:s16+$0x120] =	vst v1  }
0x33: {  	[tilespmem:s16+$0x8B20] =	vst v1  }
0x34: {  	[tilespmem:s16+$0x130] =	vst v1  }
0x35: {  	[tilespmem:s16+$0x8B30] =	vst v1  }
0x36: {  	[tilespmem:s16+$0x140] =	vst v1  }
0x37: {  	[tilespmem:s16+$0x8B40] =	vst v1  }
0x38: {  	[tilespmem:s16+$0x150] =	vst v1  }
0x39: {  	[tilespmem:s16+$0x8B50] =	vst v1  }
0x3a: {  	[tilespmem:s16+$0x160] =	vst v1  }
0x3b: {  	[tilespmem:s16+$0x8B60] =	vst v1  }
0x3c: {  	[tilespmem:s16+$0x170] =	vst v1  }
0x3d: {  	[tilespmem:s16+$0x8B70] =	vst v1  }
0x3e: {  	[tilespmem:s16+$0x180] =	vst v1  }
0x3f: {  	[tilespmem:s16+$0x8B80] =	vst v1  }
0x40: {  	[tilespmem:s16+$0x190] =	vst v1  }
0x41: {  	[tilespmem:s16+$0x8B90] =	vst v1  }
0x42: {  	[tilespmem:s16+$0x1A0] =	vst v1  }
0x43: {  	[tilespmem:s16+$0x8BA0] =	vst v1  }
0x44: {  	[tilespmem:s16+$0x1B0] =	vst v1  }
0x45: {  	[tilespmem:s16+$0x8BB0] =	vst v1  }
0x46: {  	[tilespmem:s16+$0x1C0] =	vst v1  }
0x47: {  	[tilespmem:s16+$0x8BC0] =	vst v1  }
0x48: {  	[tilespmem:s16+$0x1D0] =	vst v1  }
0x49: {  	[tilespmem:s16+$0x8BD0] =	vst v1  }
0x4a: {  	[tilespmem:s16+$0x1E0] =	vst v1  }
0x4b: {  	[tilespmem:s16+$0x8BE0] =	vst v1  }
0x4c: {  	[tilespmem:s16+$0x1F0] =	vst v1  }
0x4d: {  	[tilespmem:s16+$0x8BF0] =	vst v1  }
0x4e: {  	[tilespmem:s16+$0x200] =	vst v1  }
0x4f: {  	[tilespmem:s16+$0x8C00] =	vst v1  }
0x50: {  	[tilespmem:s16+$0x210] =	vst v1  }
0x51: {  	[tilespmem:s16+$0x8C10] =	vst v1  }
0x52: {  	[tilespmem:s16+$0x220] =	vst v1  }
0x53: {  	[tilespmem:s16+$0x8C20] =	vst v1  }
0x54: {  	[tilespmem:s16+$0x230] =	vst v1  }
0x55: {  	[tilespmem:s16+$0x8C30] =	vst v1  }
0x56: {  	[tilespmem:s16+$0x240] =	vst v1  }
0x57: {  	[tilespmem:s16+$0x8C40] =	vst v1  }
0x58: {  	[tilespmem:s16+$0x250] =	vst v1  }
0x59: {  	[tilespmem:s16+$0x8C50] =	vst v1  }
0x5a: {  	[tilespmem:s16+$0x260] =	vst v1  }
0x5b: {  	[tilespmem:s16+$0x8C60] =	vst v1  }
0x5c: {  	[tilespmem:s16+$0x270] =	vst v1  }
0x5d: {  	[tilespmem:s16+$0x8C70] =	vst v1  }
0x5e: {  	[tilespmem:s16+$0x280] =	vst v1  }
0x5f: {  	[tilespmem:s16+$0x8C80] =	vst v1  }
0x60: {  	[tilespmem:s16+$0x290] =	vst v1  }
0x61: {  	[tilespmem:s16+$0x8C90] =	vst v1  }
0x62: {  	[tilespmem:s16+$0x2A0] =	vst v1  }
0x63: {  	[tilespmem:s16+$0x8CA0] =	vst v1  }
0x64: {  	[tilespmem:s16+$0x2B0] =	vst v1  }
0x65: {  	[tilespmem:s16+$0x8CB0] =	vst v1  }
0x66: {  	[tilespmem:s16+$0x2C0] =	vst v1  }
0x67: {  	[tilespmem:s16+$0x8CC0] =	vst v1  }
0x68: {  	[tilespmem:s16+$0x2D0] =	vst v1  }
0x69: {  	[tilespmem:s16+$0x8CD0] =	vst v1  }
0x6a: {  	[tilespmem:s16+$0x2E0] =	vst v1  }
0x6b: {  	[tilespmem:s16+$0x8CE0] =	vst v1  }
0x6c: {  	[tilespmem:s16+$0x2F0] =	vst v1  }
0x6d: {  	[tilespmem:s16+$0x8CF0] =	vst v1  }
0x6e: {  	[tilespmem:s16+$0x300] =	vst v1  }
0x6f: {  	[tilespmem:s16+$0x8D00] =	vst v1  }
0x70: {  	[tilespmem:s16+$0x310] =	vst v1  }
0x71: {  	[tilespmem:s16+$0x8D10] =	vst v1  }
0x72: {  	[tilespmem:s16+$0x320] =	vst v1  }
0x73: {  	[tilespmem:s16+$0x8D20] =	vst v1  }
0x74: {  	[tilespmem:s16+$0x330] =	vst v1  }
0x75: {  	[tilespmem:s16+$0x8D30] =	vst v1  }
0x76: {  	[tilespmem:s16+$0x340] =	vst v1  }
0x77: {  	[tilespmem:s16+$0x8D40] =	vst v1  }
0x78: {  	[tilespmem:s16+$0x350] =	vst v1  }
0x79: {  	[tilespmem:s16+$0x8D50] =	vst v1  }
0x7a: {  	[tilespmem:s16+$0x360] =	vst v1  }
0x7b: {  	[tilespmem:s16+$0x8D60] =	vst v1  }
0x7c: {  	[tilespmem:s16+$0x370] =	vst v1  }
0x7d: {  	[tilespmem:s16+$0x8D70] =	vst v1  }
0x7e: {  	[tilespmem:s16+$0x380] =	vst v1  }
0x7f: {  	[tilespmem:s16+$0x8D80] =	vst v1  }
0x80: {  	[tilespmem:s16+$0x390] =	vst v1  }
0x81: {  	[tilespmem:s16+$0x8D90] =	vst v1  }
0x82: {  	[tilespmem:s16+$0x3A0] =	vst v1  }
0x83: {  	[tilespmem:s16+$0x8DA0] =	vst v1  }
0x84: {  	[tilespmem:s16+$0x3B0] =	vst v1  }
0x85: {  	[tilespmem:s16+$0x8DB0] =	vst v1  }
.Ltmp0:
0x86: {  	[tilespmem:s16+$0x3C0] =	vst v1;
	(pc) =	sbr.rel @p0 .LBB2_2-.Ltmp0, $4  }
0x87: {  	[tilespmem:s16+$0x8DC0] =	vst v1  }
0x88: {  	[tilespmem:s16+$0x3D0] =	vst v1  }
0x89: {  	[tilespmem:s16+$0x8DD0] =	vst v1  }
0x8a: {  	[tilespmem:s16+$0x3E0] =	vst v1;
	s16 =	sshra.s32 s17, $0x2;
	s17 =	sadd.s32 $0x1140, s17  }
0x8b: {  	[tilespmem:s16+$0x8DE0] =	vst v1  }
0x8c: {  	[tilespmem:s16+$0x0] =	vst v1  }
0x8d: {  	[tilespmem:s16+$0x8A00] =	vst v1  }
0x8e: {  	[tilespmem:s16+$0x10] =	vst v1  }
0x8f: {  	[tilespmem:s16+$0x8A10] =	vst v1  }
0x90: {  	[tilespmem:s16+$0x20] =	vst v1  }
0x91: {  	[tilespmem:s16+$0x8A20] =	vst v1  }
0x92: {  	[tilespmem:s16+$0x30] =	vst v1  }
0x93: {  	[tilespmem:s16+$0x8A30] =	vst v1  }
0x94: {  	[tilespmem:s16+$0x40] =	vst v1  }
0x95: {  	[tilespmem:s16+$0x8A40] =	vst v1  }
0x96: {  	[tilespmem:s16+$0x50] =	vst v1  }
0x97: {  	[tilespmem:s16+$0x8A50] =	vst v1  }
0x98: {  	[tilespmem:s16+$0x60] =	vst v1  }
0x99: {  	[tilespmem:s16+$0x8A60] =	vst v1  }
0x9a: {  	[tilespmem:s16+$0x70] =	vst v1  }
0x9b: {  	[tilespmem:s16+$0x8A70] =	vst v1  }
0x9c: {  	[tilespmem:s16+$0x80] =	vst v1  }
0x9d: {  	[tilespmem:s16+$0x8A80] =	vst v1  }
0x9e: {  	[tilespmem:s16+$0x90] =	vst v1  }
0x9f: {  	[tilespmem:s16+$0x8A90] =	vst v1  }
0xa0: {  	[tilespmem:s16+$0xA0] =	vst v1  }
0xa1: {  	[tilespmem:s16+$0x8AA0] =	vst v1  }
0xa2: {  	[tilespmem:s16+$0xB0] =	vst v1  }
0xa3: {  	[tilespmem:s16+$0x8AB0] =	vst v1  }
0xa4: {  	[tilespmem:s16+$0xC0] =	vst v1  }
0xa5: {  	[tilespmem:s16+$0x8AC0] =	vst v1  }
0xa6: {  	[tilespmem:s16+$0xD0] =	vst v1  }
0xa7: {  	[tilespmem:s16+$0x8AD0] =	vst v1  }
0xa8: {  	[tilespmem:s16+$0xE0] =	vst v1  }
0xa9: {  	[tilespmem:s16+$0x8AE0] =	vst v1  }
0xaa: {  	[tilespmem:s16+$0xF0] =	vst v1  }
0xab: {  	[tilespmem:s16+$0x8AF0] =	vst v1  }
0xac: {  	[tilespmem:s16+$0x100] =	vst v1  }
0xad: {  	[tilespmem:s16+$0x8B00] =	vst v1  }
0xae: {  	[tilespmem:s16+$0x110] =	vst v1  }
0xaf: {  	[tilespmem:s16+$0x8B10] =	vst v1  }
0xb0: {  	[tilespmem:s16+$0x120] =	vst v1  }
0xb1: {  	[tilespmem:s16+$0x8B20] =	vst v1  }
0xb2: {  	[tilespmem:s16+$0x130] =	vst v1  }
0xb3: {  	[tilespmem:s16+$0x8B30] =	vst v1  }
0xb4: {  	[tilespmem:s16+$0x140] =	vst v1  }
0xb5: {  	[tilespmem:s16+$0x8B40] =	vst v1  }
0xb6: {  	[tilespmem:s16+$0x150] =	vst v1  }
0xb7: {  	[tilespmem:s16+$0x8B50] =	vst v1  }
0xb8: {  	[tilespmem:s16+$0x160] =	vst v1  }
0xb9: {  	[tilespmem:s16+$0x8B60] =	vst v1  }
0xba: {  	[tilespmem:s16+$0x170] =	vst v1  }
0xbb: {  	[tilespmem:s16+$0x8B70] =	vst v1  }
0xbc: {  	[tilespmem:s16+$0x180] =	vst v1  }
0xbd: {  	[tilespmem:s16+$0x8B80] =	vst v1  }
0xbe: {  	[tilespmem:s16+$0x190] =	vst v1  }
0xbf: {  	[tilespmem:s16+$0x8B90] =	vst v1  }
0xc0: {  	[tilespmem:s16+$0x1A0] =	vst v1  }
0xc1: {  	[tilespmem:s16+$0x8BA0] =	vst v1  }
0xc2: {  	[tilespmem:s16+$0x1B0] =	vst v1  }
0xc3: {  	[tilespmem:s16+$0x8BB0] =	vst v1  }
0xc4: {  	[tilespmem:s16+$0x1C0] =	vst v1  }
0xc5: {  	[tilespmem:s16+$0x8BC0] =	vst v1  }
0xc6: {  	[tilespmem:s16+$0x1D0] =	vst v1  }
0xc7: {  	[tilespmem:s16+$0x8BD0] =	vst v1  }
0xc8: {  	[tilespmem:s16+$0x1E0] =	vst v1  }
0xc9: {  	[tilespmem:s16+$0x8BE0] =	vst v1  }
0xca: {  	[tilespmem:s16+$0x1F0] =	vst v1  }
0xcb: {  	[tilespmem:s16+$0x8BF0] =	vst v1  }
0xcc: {  	[tilespmem:s16+$0x200] =	vst v1  }
0xcd: {  	[tilespmem:s16+$0x8C00] =	vst v1  }
0xce: {  	[tilespmem:s16+$0x210] =	vst v1  }
0xcf: {  	[tilespmem:s16+$0x8C10] =	vst v1  }
0xd0: {  	[tilespmem:s16+$0x220] =	vst v1  }
0xd1: {  	[tilespmem:s16+$0x8C20] =	vst v1  }
0xd2: {  	[tilespmem:s16+$0x230] =	vst v1  }
0xd3: {  	[tilespmem:s16+$0x8C30] =	vst v1  }
0xd4: {  	[tilespmem:s16+$0x240] =	vst v1  }
0xd5: {  	[tilespmem:s16+$0x8C40] =	vst v1  }
0xd6: {  	[tilespmem:s16+$0x250] =	vst v1  }
0xd7: {  	[tilespmem:s16+$0x8C50] =	vst v1  }
0xd8: {  	[tilespmem:s16+$0x260] =	vst v1  }
0xd9: {  	[tilespmem:s16+$0x8C60] =	vst v1  }
0xda: {  	[tilespmem:s16+$0x270] =	vst v1  }
0xdb: {  	[tilespmem:s16+$0x8C70] =	vst v1  }
0xdc: {  	[tilespmem:s16+$0x280] =	vst v1  }
0xdd: {  	[tilespmem:s16+$0x8C80] =	vst v1  }
0xde: {  	[tilespmem:s16+$0x290] =	vst v1  }
0xdf: {  	[tilespmem:s16+$0x8C90] =	vst v1  }
0xe0: {  	[tilespmem:s16+$0x2A0] =	vst v1  }
0xe1: {  	[tilespmem:s16+$0x8CA0] =	vst v1  }
0xe2: {  	[tilespmem:s16+$0x2B0] =	vst v1  }
0xe3: {  	[tilespmem:s16+$0x8CB0] =	vst v1  }
0xe4: {  	[tilespmem:s16+$0x2C0] =	vst v1  }
0xe5: {  	[tilespmem:s16+$0x8CC0] =	vst v1  }
0xe6: {  	[tilespmem:s16+$0x2D0] =	vst v1  }
0xe7: {  	[tilespmem:s16+$0x8CD0] =	vst v1  }
0xe8: {  	[tilespmem:s16+$0x2E0] =	vst v1  }
0xe9: {  	[tilespmem:s16+$0x8CE0] =	vst v1  }
0xea: {  	[tilespmem:s16+$0x2F0] =	vst v1  }
0xeb: {  	[tilespmem:s16+$0x8CF0] =	vst v1  }
0xec: {  	[tilespmem:s16+$0x300] =	vst v1  }
0xed: {  	[tilespmem:s16+$0x8D00] =	vst v1  }
0xee: {  	[tilespmem:s16+$0x310] =	vst v1  }
0xef: {  	[tilespmem:s16+$0x8D10] =	vst v1  }
0xf0: {  	[tilespmem:s16+$0x320] =	vst v1  }
0xf1: {  	[tilespmem:s16+$0x8D20] =	vst v1  }
0xf2: {  	[tilespmem:s16+$0x330] =	vst v1  }
0xf3: {  	[tilespmem:s16+$0x8D30] =	vst v1  }
0xf4: {  	[tilespmem:s16+$0x340] =	vst v1  }
0xf5: {  	[tilespmem:s16+$0x8D40] =	vst v1  }
0xf6: {  	[tilespmem:s16+$0x350] =	vst v1  }
0xf7: {  	[tilespmem:s16+$0x8D50] =	vst v1  }
0xf8: {  	[tilespmem:s16+$0x360] =	vst v1  }
0xf9: {  	[tilespmem:s16+$0x8D60] =	vst v1  }
0xfa: {  	[tilespmem:s16+$0x370] =	vst v1  }
0xfb: {  	[tilespmem:s16+$0x8D70] =	vst v1  }
0xfc: {  	[tilespmem:s16+$0x380] =	vst v1  }
0xfd: {  	[tilespmem:s16+$0x8D80] =	vst v1  }
0xfe: {  	[tilespmem:s16+$0x390] =	vst v1  }
0xff: {  	[tilespmem:s16+$0x8D90] =	vst v1  }
0x100: {  	[tilespmem:s16+$0x3A0] =	vst v1  }
0x101: {  	[tilespmem:s16+$0x8DA0] =	vst v1  }
0x102: {  	[tilespmem:s16+$0x3B0] =	vst v1  }
0x103: {  	[tilespmem:s16+$0x8DB0] =	vst v1  }
0x104: {  	[tilespmem:s16+$0x3C0] =	vst v1  }
0x105: {  	[tilespmem:s16+$0x8DC0] =	vst v1  }
0x106: {  	[tilespmem:s16+$0x3D0] =	vst v1  }
0x107: {  	[tilespmem:s16+$0x8DD0] =	vst v1  }
0x108: {  	[tilespmem:s16+$0x3E0] =	vst v1  }
0x109: {  	[tilespmem:$0x11400] =	vst v2  }
0x10a: {  	v7 =	vld [tilespmem:$0x11400];
	_ =	sdelay $0x4  }
0x10b: {  	v7 =	vadd.s32 v0, v7;
	_ =	sdelay $0x1  }
0x10c: {  	[tilespmem:$0x11420] =	vst v2  }
0x10d: {  	[tilespmem:$0x11410] =	vst v2  }
0x10e: {  	s17 =	simm.s32 $0x0;
	[tilespmem:$0x11430] =	vst v2  }
0x10f: {  	[tilespmem:v7+s17+$0x0] =	vst.idx.msk $0xffff, v1  }
0x110: {  	v7 =	vld [tilespmem:$0x11410];
	_ =	sdelay $0x4  }
0x111: {  	v7 =	vadd.s32 v3, v7;
	_ =	sdelay $0x3  }
0x112: {  	s16 =	simm.s32 $0x3E8  }
0x113: {  	s19 =	sadd.s32 $0x0, s6;
	s18 =	simm.s32 $0x838;
	[tilespmem:v7+s17+$0x0] =	vst.idx.msk $0xffff, v1;
	s17 =	simm.s32 $0xD  }
.LBB2_4:
0x114: {  	[tilespmem:s16], [sflag:$0x3] =	stream.linear.gather [hbm4b:s19+s4], $0x68, $0x38;
	[tilespmem:$0x11440] =	vst v63  }
0x115: {  	s19 =	smov.u32 s17;
	s16 =	smov.u32 s18;
	p0 =	sne.s32 s17, $0x193  }
.Ltmp1:
0x116: {  	s17 =	sadd.s32 $0xD, s17;
	(pc) =	sbr.rel @p0 .LBB2_4-.Ltmp1, $2  }
0x117: {  	_ =	sdelay $0x2  }
0x118: {  	s18 =	sadd.s32 $0x450, s18;
	s19 =	sadd.s32 s19, s6  }
0x119: {  	[tilespmem:s16], [sflag:$0x3] =	stream.linear.gather [hbm4b:s19+s4], $0x68, $0x38;
	[tilespmem:$0x11440] =	vst v63  }
0x11a: {  	_ =	swait.ge [sflag:s11], $0xD00  }
0x11b: {  	[sflag:s11] =	ssyncset.done $0x0  }
0x11c: {  	s31 =	simm.s32 $0x0;
	[sflag:s11] =	ssyncadd.s32 $0xFFFFF300  }
0x11d: {  	v7 =	vld.idx.msk [tilespmem:v4+s31+$0x0], $0xffff;
	_ =	sdelay $0x4  }
0x11e: {  	v7 =	vtrunc.f32 v7  }
0x11f: {  	v7 =	vcvt.f32.s32 v7;
	_ =	sdelay $0x1  }
0x120: {  	v8 =	vadd.s32 v0, v7;
	_ =	sdelay $0x3  }
0x121: {  	[tilespmem:$0x11400] =	vst v7  }
0x122: {  	[tilespmem:v8+s31+$0x0] =	vst.idx.msk $0xffff, v5  }
0x123: {  	v7 =	vld.idx.msk [tilespmem:v6+s31+$0x0], $0xffff;
	_ =	sdelay $0x4  }
0x124: {  	v7 =	vtrunc.f32 v7  }
0x125: {  	v7 =	vcvt.f32.s32 v7;
	_ =	sdelay $0x1  }
0x126: {  	v8 =	vadd.s32 v3, v7;
	_ =	sdelay $0x3  }
0x127: {  	[tilespmem:$0x11410] =	vst v7  }
0x128: {  	[tilespmem:v8+s31+$0x0] =	vst.idx.msk $0xffff, v5  }
0x129: {  	[hbm4b:s7+s31] =	stream.linear.scatter [tilespmem:s31], [sflag:$0x1], $0x8A00, $0x38;
	[tilespmem:$0x11440] =	vst v63  }
0x12a: {  	v7 =	vld [tilespmem:$0x11420];
	_ =	sdelay $0x4  }
0x12b: {  	v7 =	vadd.s32 v0, v7;
	_ =	sdelay $0x4  }
0x12c: {  	[tilespmem:v7+s12+$0x0] =	vst.idx.msk $0xffff, v1  }
0x12d: {  	v7 =	vld [tilespmem:$0x11430];
	_ =	sdelay $0x4  }
0x12e: {  	v7 =	vadd.s32 v3, v7;
	_ =	sdelay $0x3  }
0x12f: {  	s16 =	simm.s32 $0x8DE8  }
0x130: {  	s17 =	simm.s32 $0xD;
	s19 =	sadd.s32 $0x0, s8;
	s18 =	simm.s32 $0x9238;
	[tilespmem:v7+s12+$0x0] =	vst.idx.msk $0xffff, v1  }
.LBB2_6:
0x131: {  	[tilespmem:s16], [sflag:$0x3] =	stream.linear.gather [hbm4b:s19+s4], $0x68, $0x38;
	[tilespmem:$0x11440] =	vst v63  }
0x132: {  	s19 =	smov.u32 s17;
	s16 =	smov.u32 s18;
	p0 =	sne.s32 s17, $0x193  }
.Ltmp2:
0x133: {  	s17 =	sadd.s32 $0xD, s17;
	(pc) =	sbr.rel @p0 .LBB2_6-.Ltmp2, $2  }
0x134: {  	_ =	sdelay $0x2  }
0x135: {  	s18 =	sadd.s32 $0x450, s18;
	s19 =	sadd.s32 s19, s8  }
0x136: {  	[tilespmem:s16], [sflag:$0x3] =	stream.linear.gather [hbm4b:s19+s4], $0x68, $0x38;
	[tilespmem:$0x11440] =	vst v63  }
0x137: {  	_ =	swait.ge [sflag:s11], $0xD00  }
0x138: {  	[sflag:s11] =	ssyncset.done $0x0  }
0x139: {  	[sflag:s11] =	ssyncadd.s32 $0xFFFFF300  }
0x13a: {  	v7 =	vld.idx.msk [tilespmem:v4+s12+$0x0], $0xffff;
	_ =	sdelay $0x4  }
0x13b: {  	v7 =	vtrunc.f32 v7  }
0x13c: {  	v7 =	vcvt.f32.s32 v7;
	_ =	sdelay $0x1  }
0x13d: {  	v8 =	vadd.s32 v0, v7;
	_ =	sdelay $0x3  }
0x13e: {  	[tilespmem:$0x11420] =	vst v7  }
0x13f: {  	[tilespmem:v8+s12+$0x0] =	vst.idx.msk $0xffff, v5  }
0x140: {  	v7 =	vld.idx.msk [tilespmem:v6+s12+$0x0], $0xffff;
	_ =	sdelay $0x4  }
0x141: {  	v7 =	vtrunc.f32 v7  }
0x142: {  	v7 =	vcvt.f32.s32 v7;
	_ =	sdelay $0x1  }
0x143: {  	v8 =	vadd.s32 v3, v7;
	_ =	sdelay $0x3  }
0x144: {  	[tilespmem:$0x11430] =	vst v7  }
0x145: {  	s16 =	simm.s32 $0x1;
	[tilespmem:v8+s12+$0x0] =	vst.idx.msk $0xffff, v5  }
0x146: {  	[hbm4b:s9+s4] =	stream.linear.scatter [tilespmem:s12], [sflag:$0x2], $0x8A00, $0x38;
	[tilespmem:$0x11440] =	vst v63  }
.LBB2_8:
0x147: {  	_ =	swait.ge [sflag:s13], $0x8A00  }
0x148: {  	[sflag:s13] =	ssyncset.done $0x0  }
0x149: {  	[sflag:s13] =	ssyncadd.s32 $0xFFFF7600  }
0x14a: {  	v7 =	vld [tilespmem:$0x11400];
	_ =	sdelay $0x4  }
0x14b: {  	v7 =	vadd.s32 v0, v7;
	_ =	sdelay $0x3  }
0x14c: {  	s21 =	simm.s32 $0x0  }
0x14d: {  	[tilespmem:v7+s21+$0x0] =	vst.idx.msk $0xffff, v1  }
0x14e: {  	v7 =	vld [tilespmem:$0x11410];
	_ =	sdelay $0x4  }
0x14f: {  	s17 =	sshll.u32 s16, $0x6;
	v7 =	vadd.s32 v3, v7  }
0x150: {  	s17 =	sor.u32 s3, s17  }
0x151: {  	s19 =	smul.u32 $0xD, s17  }
0x152: {  	s18 =	smul.u32 $0x8A, s17  }
0x153: {  	s20 =	simm.s32 $0x3E8;
	s22 =	simm.s32 $0x838;
	s19 =	sadd.s32 s5, s19  }
0x154: {  	s18 =	sadd.s32 s2, s18;
	s23 =	sadd.s32 $0x0, s19;
	[tilespmem:v7+s21+$0x0] =	vst.idx.msk $0xffff, v1;
	s21 =	simm.s32 $0xD  }
.LBB2_9:
0x155: {  	[tilespmem:s20], [sflag:$0x3] =	stream.linear.gather [hbm4b:s23+s4], $0x68, $0x38;
	[tilespmem:$0x11440] =	vst v63  }
0x156: {  	s23 =	smov.u32 s21;
	s20 =	smov.u32 s22;
	p0 =	sne.s32 s21, $0x193  }
.Ltmp3:
0x157: {  	s21 =	sadd.s32 $0xD, s21;
	(pc) =	sbr.rel @p0 .LBB2_9-.Ltmp3, $2  }
0x158: {  	_ =	sdelay $0x2  }
0x159: {  	s22 =	sadd.s32 $0x450, s22;
	s23 =	sadd.s32 s23, s19  }
0x15a: {  	[tilespmem:s20], [sflag:$0x3] =	stream.linear.gather [hbm4b:s23+s4], $0x68, $0x38;
	[tilespmem:$0x11440] =	vst v63  }
0x15b: {  	_ =	swait.ge [sflag:s11], $0xD00  }
0x15c: {  	[sflag:s11] =	ssyncset.done $0x0  }
0x15d: {  	s19 =	simm.s32 $0x0;
	[sflag:s11] =	ssyncadd.s32 $0xFFFFF300  }
0x15e: {  	v7 =	vld.idx.msk [tilespmem:v4+s19+$0x0], $0xffff;
	_ =	sdelay $0x4  }
0x15f: {  	v7 =	vtrunc.f32 v7  }
0x160: {  	v7 =	vcvt.f32.s32 v7;
	_ =	sdelay $0x1  }
0x161: {  	v8 =	vadd.s32 v0, v7;
	_ =	sdelay $0x3  }
0x162: {  	[tilespmem:$0x11400] =	vst v7  }
0x163: {  	[tilespmem:v8+s19+$0x0] =	vst.idx.msk $0xffff, v5  }
0x164: {  	v7 =	vld.idx.msk [tilespmem:v6+s19+$0x0], $0xffff;
	_ =	sdelay $0x4  }
0x165: {  	v7 =	vtrunc.f32 v7  }
0x166: {  	v7 =	vcvt.f32.s32 v7;
	_ =	sdelay $0x1  }
0x167: {  	v8 =	vadd.s32 v3, v7;
	_ =	sdelay $0x3  }
0x168: {  	[tilespmem:$0x11410] =	vst v7  }
0x169: {  	[tilespmem:v8+s19+$0x0] =	vst.idx.msk $0xffff, v5  }
0x16a: {  	[hbm4b:s18+s19] =	stream.linear.scatter [tilespmem:s19], [sflag:$0x1], $0x8A00, $0x38;
	[tilespmem:$0x11440] =	vst v63  }
0x16b: {  	_ =	swait.ge [sflag:s14], $0x8A00  }
0x16c: {  	[sflag:s14] =	ssyncset.done $0x0  }
0x16d: {  	[sflag:s14] =	ssyncadd.s32 $0xFFFF7600  }
0x16e: {  	v7 =	vld [tilespmem:$0x11420];
	_ =	sdelay $0x4  }
0x16f: {  	v7 =	vadd.s32 v0, v7;
	_ =	sdelay $0x4  }
0x170: {  	[tilespmem:v7+s12+$0x0] =	vst.idx.msk $0xffff, v1  }
0x171: {  	v7 =	vld [tilespmem:$0x11430];
	_ =	sdelay $0x4  }
0x172: {  	v7 =	vadd.s32 v3, v7  }
0x173: {  	s17 =	sor.u32 $0x20, s17  }
0x174: {  	s31 =	smul.u32 $0xD, s17  }
0x175: {  	s30 =	smul.u32 $0x8A, s17  }
0x176: {  	s20 =	simm.s32 $0xD;
	s21 =	simm.s32 $0x9238;
	s18 =	sadd.s32 s5, s31  }
0x177: {  	s17 =	sadd.s32 s2, s30;
	s19 =	simm.s32 $0x8DE8;
	s22 =	sadd.s32 $0x0, s18;
	[tilespmem:v7+s12+$0x0] =	vst.idx.msk $0xffff, v1  }
.LBB2_11:
0x178: {  	[tilespmem:s19], [sflag:$0x3] =	stream.linear.gather [hbm4b:s22+s4], $0x68, $0x38;
	[tilespmem:$0x11440] =	vst v63  }
0x179: {  	s22 =	smov.u32 s20;
	s19 =	smov.u32 s21;
	p0 =	sne.s32 s20, $0x193  }
.Ltmp4:
0x17a: {  	s20 =	sadd.s32 $0xD, s20;
	(pc) =	sbr.rel @p0 .LBB2_11-.Ltmp4, $2  }
0x17b: {  	_ =	sdelay $0x2  }
0x17c: {  	s21 =	sadd.s32 $0x450, s21;
	s22 =	sadd.s32 s22, s18  }
0x17d: {  	[tilespmem:s19], [sflag:$0x3] =	stream.linear.gather [hbm4b:s22+s4], $0x68, $0x38;
	[tilespmem:$0x11440] =	vst v63  }
0x17e: {  	_ =	swait.ge [sflag:s11], $0xD00  }
0x17f: {  	[sflag:s11] =	ssyncset.done $0x0  }
0x180: {  	[sflag:s11] =	ssyncadd.s32 $0xFFFFF300  }
0x181: {  	v7 =	vld.idx.msk [tilespmem:v4+s12+$0x0], $0xffff;
	_ =	sdelay $0x4  }
0x182: {  	v7 =	vtrunc.f32 v7  }
0x183: {  	v7 =	vcvt.f32.s32 v7;
	_ =	sdelay $0x1  }
0x184: {  	v8 =	vadd.s32 v0, v7;
	_ =	sdelay $0x3  }
0x185: {  	[tilespmem:$0x11420] =	vst v7  }
0x186: {  	[tilespmem:v8+s12+$0x0] =	vst.idx.msk $0xffff, v5  }
0x187: {  	v7 =	vld.idx.msk [tilespmem:v6+s12+$0x0], $0xffff;
	_ =	sdelay $0x4  }
0x188: {  	v7 =	vtrunc.f32 v7  }
0x189: {  	v7 =	vcvt.f32.s32 v7;
	_ =	sdelay $0x1  }
0x18a: {  	s16 =	sadd.s32 $0x1, s16;
	v8 =	vadd.s32 v3, v7  }
0x18b: {  	p0 =	sne.s32 s16, $0x8  }
.Ltmp5:
0x18c: {  	_ = 	snop;
	(pc) =	sbr.rel @p0 .LBB2_8-.Ltmp5, $4  }
0x18d: {  	_ = 	snop  }
0x18e: {  	[tilespmem:$0x11430] =	vst v7  }
0x18f: {  	[tilespmem:v8+s12+$0x0] =	vst.idx.msk $0xffff, v5  }
0x190: {  	[hbm4b:s17+s4] =	stream.linear.scatter [tilespmem:s12], [sflag:$0x2], $0x8A00, $0x38;
	[tilespmem:$0x11440] =	vst v63  }
0x191: {  	s15 =	sadd.s32 $0x1, s15  }
0x192: {  	_ =	swait.ge [sflag:s13], $0x8A00;
	p0 =	sne.s32 s15, s10  }
.Ltmp6:
0x193: {  	[sflag:s13] =	ssyncset.done $0x0;
	(pc) =	sbr.rel @p0 .LBB2_1-.Ltmp6, $4  }
0x194: {  	[sflag:s13] =	ssyncadd.s32 $0xFFFF7600  }
0x195: {  	_ =	swait.ge [sflag:s14], $0x8A00  }
0x196: {  	[sflag:s14] =	ssyncset.done $0x0  }
0x197: {  	[sflag:s14] =	ssyncadd.s32 $0xFFFF7600  }
0x198: {  	_ =	sfence.sel $0x180000  }
0x199: {  	[bflag:$0x0] =	sbarrier.arrive $0xFFFF  }
0x19a: {  	p0 =	sne.s32 s0, $0x0;
	_ =	strace $0x90000047  }
0x19b: {  	s0 =	sadd.s32 @!p0 $0x100000, s1;
	[bflag:$0x2] =	sbarrier.arrive $0xFFFF  }
0x19c: {  	[sflag:s0] =	ssyncadd.tile.s32 @!p0 $0x1;
	_ =	shalt  }
.Lfunc_end2:
_tile_overlayer_lowered:
.L_overlay_start_2:
0x19d: {  	(tag) =	ssettag $0x2  }
0x19e: {  	s0 =	rddreg [dreg:$0x0];
	s2 =	stileid.u32  }
0x19f: {  	s1 =	rddreg [dreg:$0x1];
	p0 =	sne.s32 s2, $0x0  }
0x1a0: {  	s3 =	rddreg [dreg:$0x2];
	[bflag:$0x3] =	sbarrier.arrive $0xFFFF;
	s2 =	simm.s32 @!p0 $0x1C03  }
0x1a1: {  	[timem:s3], [sflag:s2] =	dma.local @!p0 [hbm:s0], s1  }
0x1a2: {  	s0 =	simm.s32 @!p0 $0x3  }
0x1a3: {  	_ =	swait.ge @!p0 [sflag:s0], s1  }
0x1a4: {  	s1 =	ssub.s32 @!p0 $0x0, s1;
	[sflag:s0] =	ssyncset.done @!p0 $0x0  }
0x1a5: {  	[sflag:s0] =	ssyncadd.s32 @!p0 s1  }
0x1a6: {  	[bflag:$0x3] =	sbarrier.arrive $0xFFFF  }
0x1a7: {  	_ =	shalt  }

// kernel: sparse-core-data-format-call.cloned.1.call-start
scs
called_computation_lowered:
.L_overlay_start_0:
0x0: {  	s2 =	sld [smem:$0x3FD9]  }
0x1: {  	s3 =	sld [smem:$0x3FFE];
	_ =	sdelay $0x1  }
0x2: {  	s1 =	srdreg.scid  }
0x3: {  	s0 =	sand.u32 $0x1, s1  }
0x4: {  	s18 =	sshll.u32 s0, $0xA;
	s2 =	sadd.s32 s3, s2  }
0x5: {  	s2 =	sadd.s32 s2, s18  }
0x6: {  	[smem:$0x3FC7] =	sst s2  }
0x7: {  	_ = 	snop  }
0x8: {  	s2 =	sld [smem:$0x3FD0];
	(tm) =	ssettm $0x1  }
0x9: {  	s19 =	sld [smem:$0x3FFB];
	_ =	sdelay $0x3  }
0xa: {  	_ =	strace s19  }
0xb: {  	s3 =	sld [smem:$0x3FFC];
	_ =	sdelay $0x3  }
0xc: {  	_ =	strace s3  }
0xd: {  	s3 =	sld [smem:$0x3FFD];
	_ =	sdelay $0x3  }
0xe: {  	_ =	strace s3  }
0xf: {  	_ =	strace $0x8FFFFFFF  }
0x10: {  	s20 =	sld [smem:$0x3FDB];
	_ =	sdelay $0x1  }
0x11: {  	s4 =	simm.s32 $_scs_section_size  }
0x12: {  	s5 =	simm.s32 $_size__tile_overlayer_lowered;
	s6 =	simm.s32 $_tile_overlayer_lowered  }
0x13: {  	s23 =	simm.s32 $0x1BFF;
	s22 =	sshll.u32 s6, $0x1;
	s3 =	sadd.s32 s4, s20  }
0x14: {  	s7 =	simm.s32 $0x0;
	s21 =	sshll.u32 s5, $0x1;
	s5 =	sadd.s32 s22, s3  }
0x15: {  	[timem:s7], [sflag:s23] =	dma.local [hbm:s5], s21  }
0x16: {  	_ =	swait.ge [sflag:s23], s21  }
0x17: {  	s4 =	ssub.s32 $0x0, s21;
	[sflag:s23] =	ssyncset.done $0x0  }
0x18: {  	[sflag:s23] =	ssyncadd.s32 s4;
	_ =	sdelay $0x1  }
0x19: {  	s24 =	simm.s32 $0x1B8B  }
0x1a: {  	_ =	swait.ge [sflag:s24], $0x1  }
0x1b: {  	[sflag:s24] =	ssyncset.done $0x0  }
0x1c: {  	s26 =	simm.s32 $0x1B8E;
	s25 =	sld [smem:$0x3FFE];
	[sflag:s24] =	ssyncadd.s32 $0xFFFFFFFF  }
0x1d: {  	s27 =	simm.s32 $execute0_lowered;
	[smem:$0x3FD2] =	sst s26  }
0x1e: {  	s5 =	sshll.u32 s27, $0x1;
	_ =	strace $0x80000049;
	[dreg:$0x1] =	wrdreg $0xFFFFFFFF  }
0x1f: {  	s28 =	simm.s32 $_size_execute0_lowered;
	s3 =	sadd.s32 s3, s5;
	[dreg:$0x0] =	wrdreg $0x0  }
0x20: {  	s5 =	sshll.u32 s28, $0x1;
	[dreg:$0x2] =	wrdreg s3  }
0x21: {  	[dreg:$0x3] =	wrdreg s5  }
0x22: {  	[dreg:$0x4] =	wrdreg $0xC0  }
0x23: {  	_ =	task [dreg:s7], $0x5FFFF  }
0x24: {  	[dreg:$0x1] =	wrdreg $0xFFFFFFFF  }
0x25: {  	[dreg:$0x0] =	wrdreg $0x60  }
0x26: {  	[dreg:$0x2] =	wrdreg s25  }
0x27: {  	[dreg:$0x3] =	wrdreg s2  }
0x28: {  	[dreg:$0x4] =	wrdreg $0x9  }
0x29: {  	_ =	task.clear_ibuf [dreg:s7], $0x5FFFF;
	_ =	strace $0x90000049  }
0x2a: {  	s29 =	simm.s32 $0x9;
	_ =	strace $0x8000004B  }
0x2b: {  	_ =	swait.ge [sflag:s29], $0x1  }
0x2c: {  	[sflag:s29] =	ssyncadd.s32 $0xFFFFFFFF  }
0x2d: {  	_ =	strace $0x9000004B  }
0x2e: {  	_ =	sfence  }
0x2f: {  	s30 =	sld [smem:$0x0];
	_ =	sdelay $0x2  }
0x30: {  	s31 =	sshll.u32 s1, $0xD;
	s1 =	sshrl.u32 s1, $0x2  }
0x31: {  	s3 =	sand.u32 $0x4000, s31;
	s1 =	sadd.s32 s1, s30  }
0x32: {  	s0 =	sor.u32 s3, s0;
	s1 =	sshll.u32 s1, $0x11  }
0x33: {  	s0 =	sor.u32 s1, s0  }
0x34: {  	s0 =	sadd.s32 $0x8F2B, s0  }
0x35: {  	[sflag:s0] =	ssyncadd.remote.s32 $0x1  }
0x36: {  	_ =	sfence.sel $0xFFFF  }
0x37: {  	[dreg:$0x0] =	wrdreg $0xFFFFFFFF;
	(pc) =	sbr.abs _section_cstart, $3  }
0x38: {  	[dreg:$0x1] =	wrdreg $0xFFFFFFFF  }
0x39: {  	_ =	task.clear_ibuf [dreg:s7], $0x2FFFF;
	_ =	strace $0x9FFFFFFF  }
0x3a: {  	(tm) =	ssettm $0x7FFFFFFF  }
0x3b: {  	_ =	shalt  }
tec
execute0_lowered:
.L_overlay_start_1:
0x0: {  	(tag) =	ssettag $0x1  }
0x1: {  	s0 =	srdreg.scid  }
0x2: {  	s1 =	sshll.u32 s0, $0x4  }
0x3: {  	s6 =	rddreg [dreg:$0x0];
	s0 =	stileid.u32;
	s1 =	sand.u32 $0x10, s1  }
0x4: {  	s3 =	rddreg [dreg:$0x1];
	s1 =	sor.u32 s0, s1  }
0x5: {  	s5 =	simm.s32 $0x1;
	s31 =	simm.s32 $0x2;
	s2 =	sshll.u32 s1, $0x7  }
0x6: {  	s15 =	simm.s32 $0x0;
	s8 =	simm.s32 $0x20000;
	s4 =	ssub.s32 $0x4000, s2  }
0x7: {  	s14 =	simm.s32 $0x0;
	s9 =	simm.s32 $0x0;
	s30 =	sand.u32 $0xF80, s4  }
0x8: {  	s10 =	simm.s32 $0x0;
	s11 =	simm.s32 $0x0;
	p0 =	sne.s32 s30, $0x0  }
.Ltmp0:
0x9: {  	s7 =	sshrl.u32 s4, $0xC;
	s5 =	simm.s32 @!p0 $0x0;
	(pc) =	sbr.rel .LBB1_1-.Ltmp0, $4  }
0xa: {  	s13 =	simm.s32 $0x0;
	s1 =	rddreg [dreg:$0x2];
	s5 =	sadd.s32 s5, s7  }
0xb: {  	_ =	strace $0x8000004A;
	s4 =	simm.s32 $0x1;
	s5 =	smul.u32 $0x9, s5  }
0xc: {  	s6 =	sadd.s32 $0x800, s6;
	s12 =	smov.u32 s2;
	[sflag:s4] =	ssyncpa.u1 $0x0  }
0xd: {  	[sflag:s31] =	ssyncpa.u1 $0x0;
	p0 =	por $0x0, $0x0;
	s7 =	sadd.s32 $0x1, s5  }
.LBB1_4:
0xe: {  	s20 =	sshra.s32 s20, $0x2  }
0xf: {  	s28 =	sand.u32 $0x78, s10;
	s21 =	sshll.u32 s9, $0xE;
	s22 =	sshll.u32 s10, $0x3  }
0x10: {  	s24 =	sshll.u32 s9, $0x7;
	p1 =	sgt.s32 s9, $0x3D0;
	s30 =	sshra.s32 s9, $0x1F  }
0x11: {  	s26 =	sshra.s32 s10, $0x1F;
	s19 =	sadd.s32 s20, s19;
	s21 =	sand.u32 $0xFFFE0000, s21  }
0x12: {  	v5 =	vld [tilespmem:s17+$0xFFFFFFD0];
	[tilespmem:s18+$0x2040 ss:$0x81] =	vst.msk $0xffff, v4;
	s23 =	sand.u32 $0xFFFFFC00, s22;
	s29 =	sand.u32 $0x380, s24;
	s22 =	sand.u32 $0x3C00, s22  }
0x13: {  	v58 =	vld [tilespmem:s17+$0xFFFFFFE0];
	[tilespmem:s18+$0x2850 ss:$0x81] =	vst.msk $0xffff, v3;
	s21 =	sadd.s32 s23, s21;
	s20 =	sor.u32 s28, s22;
	s22 =	smov.u32 s9  }
0x14: {  	v59 =	vld [tilespmem:s17+$0xFFFFFFF0];
	[tilespmem:s18+$0x3060 ss:$0x81] =	vst.msk $0xffff, v2;
	s24 =	sand.u32 s30, s9;
	s21 =	sshrl.u32 s21, $0xE;
	s22 =	simm.s32 @!p1 $0x3D0  }
0x15: {  	v60 =	vld [tilespmem:s17+$0x0];
	[tilespmem:s18+$0x0 ss:$0x81] =	vst.msk $0xffff, v1;
	p1 =	sgt.s32 s10, $0x3F80;
	s31 =	ssub.s32 s22, s24;
	s22 =	smov.u32 s10  }
0x16: {  	v61 =	vld [tilespmem:s17+$0x10];
	[tilespmem:s19+$0x3870 ss:$0x81] =	vst.msk $0xffff, v0;
	s25 =	smulhi.u32 $0x3B5CC1, s21;
	s24 =	sand.u32 s26, s10;
	s22 =	simm.s32 @!p1 $0x3F80  }
0x17: {  	v62 =	vld [tilespmem:s17+$0x20];
	s20 =	sor.u32 s29, s20;
	[tilespmem:s19+$0x810 ss:$0x81] =	vst.msk $0xffff, v5;
	s27 =	sadd.s32 $0xFFFFFC30, s31;
	s22 =	ssub.s32 s22, s24  }
0x18: {  	v63 =	vld [tilespmem:s17+$0xFFFFFFC0];
	[tilespmem:s19+$0x1020 ss:$0x81] =	vst.msk $0xffff, v58;
	s18 =	ssub.s32 $0x450, s31;
	s28 =	smul.u32 $0x450, s25;
	s29 =	sadd.s32 $0xFFFFC080, s22  }
0x19: {  	[tilespmem:s19+$0x1830 ss:$0x81] =	vst.msk $0xffff, v59;
	p1 =	sgt.s32 s27, $0x7F;
	s22 =	ssub.s32 $0x4000, s22;
	p2 =	sgt.s32 s29, $0x7F  }
0x1a: {  	s30 =	sand.u32 $0x7, s10;
	[tilespmem:s19+$0x2040 ss:$0x81] =	vst.msk $0xffff, v60;
	s18 =	simm.s32 @p1 $0x0;
	s22 =	simm.s32 @p2 $0x0  }
0x1b: {  	s20 =	sshrl.u32 s20, $0x3;
	[tilespmem:s19+$0x2850 ss:$0x81] =	vst.msk $0xffff, v61;
	s17 =	ssub.s32 s21, s28;
	s18 =	smul.u32 s22, s18  }
0x1c: {  	[tilespmem:s19+$0x3060 ss:$0x81] =	vst.msk $0xffff, v62;
	s20 =	sadd.s32 s3, s20;
	s21 =	sshll.u32 s30, $0x12;
	s17 =	sshll.u32 s17, $0xB  }
0x1d: {  	[tilespmem:s19+$0x0 ss:$0x81] =	vst.msk $0xffff, v63;
	s31 =	sor.u32 $0x400, s21;
	s17 =	sadd.s32 s17, s20;
	s18 =	sand.u32 $0x3FFFFFFF, s18  }
0x1e: {  	[hbm4b:s17+s31] =	stream.strided.scatter [tilespmem:s16], [sflag:$0x2], s18, s8, s31, $0x20;
	[tilespmem:$0x10100] =	vst v63  }
.LBB1_5:
0x1f: {  	p1 =	slt.u32 s13, $0x2  }
0x20: {  	s17 =	smov.u32 s15;
	p2 =	sgt.s32 @!p1 s15, $0x3D0;
	s16 =	sshra.s32 @!p1 s15, $0x1F  }
0x21: {  	p3 =	sgt.s32 @!p1 s14, $0x3F80;
	s18 =	sshra.s32 @!p1 s14, $0x1F;
	p2 =	por !p2, p1  }
0x22: {  	s15 =	sand.u32 @!p1 s16, s15;
	p3 =	por !p3, p1;
	s16 =	smov.u32 s14  }
0x23: {  	s14 =	sand.u32 @!p1 s18, s14;
	s17 =	simm.s32 @p2 $0x3D0;
	s16 =	simm.s32 @p3 $0x3F80  }
0x24: {  	s15 =	ssub.s32 @!p1 s17, s15;
	s14 =	ssub.s32 @!p1 s16, s14  }
0x25: {  	s18 =	smov.u32 s12;
	s16 =	sadd.s32 @!p1 $0xFFFFFC30, s15;
	s17 =	sadd.s32 @!p1 $0xFFFFC080, s14  }
0x26: {  	s15 =	ssub.s32 @!p1 $0x450, s15;
	p2 =	sgt.s32 @!p1 s16, $0x7F;
	p3 =	sgt.s32 @!p1 s17, $0x7F  }
0x27: {  	s14 =	ssub.s32 @!p1 $0x4000, s14;
	p2 =	por !p2, p1;
	p3 =	por !p3, p1  }
0x28: {  	s16 =	sadd.s32 $0x80, s11;
	s15 =	simm.s32 @!p2 $0x0;
	s14 =	simm.s32 @!p3 $0x0  }
0x29: {  	p2 =	sgt.s32 s16, $0x44B;
	s14 =	smul.u32 @!p1 s14, s15;
	s15 =	sadd.s32 $0x1000, s12  }
0x2a: {  	s18 =	smov.u32 @p2 s15  }
0x2b: {  	s16 =	simm.s32 @p2 $0x0;
	p2 =	sgt.s32 s18, $0x3FFF  }
0x2c: {  	s18 =	smov.u32 @p2 s2;
	p2 =	sne.s32 s13, s7  }
.Ltmp1:
0x2d: {  	p0 =	por !p0, !p0;
	s17 =	simm.s32 @!p1 $0x2;
	(pc) =	sbr.rel @!p2 .LBB1_6-.Ltmp1, $4  }
0x2e: {  	s15 =	smov.u32 s9;
	s9 =	smov.u32 s11;
	s14 =	sand.u32 @!p1 $0x3FFFFFFF, s14  }
0x2f: {  	s11 =	smov.u32 s16;
	_ =	swait.ge @!p1 [sflag:s17], s14;
	s19 =	ssub.s32 @!p1 $0x0, s14  }
0x30: {  	s14 =	smov.u32 s10;
	s13 =	sadd.s32 $0x1, s13;
	[sflag:s17] =	ssyncset.done @!p1 $0x0  }
0x31: {  	s10 =	smov.u32 s12;
	s12 =	smov.u32 s18;
	[sflag:s17] =	ssyncadd.s32 @!p1 s19  }
.LBB1_1:
0x32: {  	p1 =	sge.u32 s13, s5  }
0x33: {  	s16 =	sshrl.u32 @!p1 s12, $0x3  }
0x34: {  	s17 =	sshll.u32 @!p1 s11, $0x3;
	s16 =	smul.u32 @!p1 $0x2400, s16  }
0x35: {  	s18 =	sshll.u32 @!p1 s12, $0x7;
	s17 =	sand.u32 @!p1 $0xFFFFFC00, s17  }
0x36: {  	s16 =	sadd.s32 @!p1 s16, s17;
	s17 =	sand.u32 @!p1 $0x380, s18  }
0x37: {  	s18 =	sand.u32 @!p1 $0x7F, s11;
	s16 =	sor.u32 @!p1 s17, s16  }
0x38: {  	s17 =	sor.u32 @!p1 s18, s16  }
0x39: {  	s18 =	smulhi.u32 @!p1 $0x38E38E39, s17;
	_ =	sdelay $0x1  }
0x3a: {  	s16 =	smulhi.u32 @!p1 $0x38E38E39, s16;
	s18 =	sshrl.u32 @!p1 s18, $0x8  }
0x3b: {  	s18 =	smul.u32 @!p1 $0x480, s18  }
0x3c: {  	s31 =	sadd.s32 $0xFFFFFFFF, s13;
	s19 =	sxor.u32 @!p1 $0xFFFFFFFF, s13;
	s16 =	sshrl.u32 @!p1 s16, $0x8  }
0x3d: {  	s19 =	sshll.u32 @!p1 s19, $0xE;
	s16 =	sand.u32 @!p1 $0x3FFF, s16;
	s17 =	ssub.s32 @!p1 s17, s18  }
0x3e: {  	s16 =	smul.u32 @!p1 $0x90, s16;
	s18 =	sshrl.u32 @!p1 s17, $0x3;
	s17 =	sand.u32 @!p1 $0x7, s17  }
0x3f: {  	s19 =	sand.u32 @!p1 $0x4000, s19;
	s18 =	sadd.s32 @!p1 s6, s18;
	s17 =	sshll.u32 @!p1 s17, $0x12  }
0x40: {  	s16 =	sadd.s32 @!p1 s16, s18;
	s17 =	sor.u32 @!p1 $0x400, s17;
	s18 =	simm.s32 @!p1 $0x2400  }
0x41: {  	[tilespmem:s19], [sflag:$0x1] =	stream.strided.gather @!p1 [hbm4b:s16+s17], $0x4000, s18, s17, $0x38;
	[tilespmem:$0x10100] =	vst v63  }
0x42: {  	p1 =	sge.u32 s31, s5  }
.Ltmp2:
0x43: {  	_ = 	snop;
	(pc) =	sbr.rel @p1 .LBB1_5-.Ltmp2, $1  }
0x44: {  	_ =	sdelay $0x3  }
0x45: {  	s16 =	simm.s32 $0x1  }
0x46: {  	_ =	swait.ge [sflag:s4], $0x4000;
	s16 =	simm.s32 @!p0 $0x0  }
0x47: {  	[sflag:s4] =	ssyncset.done $0x0;
	s17 =	sshll.u32 s16, $0xE  }
0x48: {  	[sflag:s4] =	ssyncadd.s32 $0xFFFFC000;
	s17 =	sor.u32 $0x40, s17  }
0x49: {  	s16 =	smul.u32 $0x10200, s16;
	v0 =	vld [tilespmem:s17+$0x30]  }
0x4a: {  	v1 =	vld [tilespmem:s17+$0xFFFFFFD0]  }
0x4b: {  	s16 =	sshrl.u32 s16, $0x2;
	v5 =	vld [tilespmem:s17+$0xFFFFFFE0]  }
0x4c: {  	v6 =	vld [tilespmem:s17+$0xFFFFFFF0];
	s19 =	sor.u32 $0x8000, s16  }
0x4d: {  	s31 =	sand.u32 $0x1, s13;
	v4 =	vld [tilespmem:s17+$0x0];
	s18 =	sadd.s32 $0x0, s19  }
0x4e: {  	v3 =	vld [tilespmem:s17+$0x10];
	s16 =	smul.u32 $0x10200, s31;
	[tilespmem:s18+$0x3870 ss:$0x81] =	vst.msk $0xffff, v0  }
0x4f: {  	v2 =	vld [tilespmem:s17+$0x20];
	[tilespmem:s18+$0x810 ss:$0x81] =	vst.msk $0xffff, v1  }
0x50: {  	s16 =	sshrl.u32 s16, $0x2;
	v1 =	vld [tilespmem:s17+$0xFFFFFFC0];
	[tilespmem:s18+$0x1020 ss:$0x81] =	vst.msk $0xffff, v5;
	s17 =	sadd.s32 $0x80, s17  }
0x51: {  	s20 =	simm.s32 $0x4;
	s21 =	simm.s32 $0x8;
	s16 =	sor.u32 $0x8000, s16;
	[tilespmem:s18+$0x1830 ss:$0x81] =	vst.msk $0xffff, v6;
	v0 =	vld [tilespmem:s17+$0x30]  }
.LBB1_3:
0x52: {  	p1 =	sne.s32 s21, $0x1FC;
	v5 =	vld [tilespmem:s17+$0xFFFFFFD0];
	[tilespmem:s18+$0x2040 ss:$0x81] =	vst.msk $0xffff, v4  }
0x53: {  	v6 =	vld [tilespmem:s17+$0xFFFFFFE0];
	[tilespmem:s18+$0x2850 ss:$0x81] =	vst.msk $0xffff, v3  }
0x54: {  	s22 =	sshra.s32 s20, $0x2;
	s20 =	smov.u32 s21;
	v7 =	vld [tilespmem:s17+$0xFFFFFFF0];
	[tilespmem:s18+$0x3060 ss:$0x81] =	vst.msk $0xffff, v2  }
.Ltmp3:
0x55: {  	v4 =	vld [tilespmem:s17+$0x0];
	[tilespmem:s18+$0x0 ss:$0x81] =	vst.msk $0xffff, v1;
	s18 =	sadd.s32 s22, s19;
	(pc) =	sbr.rel @p1 .LBB1_3-.Ltmp3, $4  }
0x56: {  	v3 =	vld [tilespmem:s17+$0x10];
	[tilespmem:s18+$0x3870 ss:$0x81] =	vst.msk $0xffff, v0  }
0x57: {  	[tilespmem:s18+$0x810 ss:$0x81] =	vst.msk $0xffff, v5;
	v2 =	vld [tilespmem:s17+$0x20]  }
0x58: {  	v1 =	vld [tilespmem:s17+$0xFFFFFFC0];
	[tilespmem:s18+$0x1020 ss:$0x81] =	vst.msk $0xffff, v6;
	s17 =	sadd.s32 $0x80, s17  }
0x59: {  	s21 =	sadd.s32 $0x4, s21;
	v0 =	vld [tilespmem:s17+$0x30];
	[tilespmem:s18+$0x1830 ss:$0x81] =	vst.msk $0xffff, v7  }
.Ltmp4:
0x5a: {  	_ = 	snop;
	(pc) =	sbr.rel .LBB1_4-.Ltmp4, $1  }
0x5b: {  	_ =	sdelay $0x3  }
.LBB1_6:
0x5c: {  	_ =	sfence.sel $0x180000  }
0x5d: {  	s2 =	simm.s32 $0x1;
	[bflag:$0x0] =	sbarrier.arrive $0xFFFF  }
0x5e: {  	s31 =	simm.s32 $0x2;
	[sflag:s2] =	ssyncpa.u1 $0x1  }
0x5f: {  	[sflag:s31] =	ssyncpa.u1 $0x1  }
0x60: {  	p0 =	sne.s32 s0, $0x0;
	_ =	strace $0x9000004A  }
0x61: {  	s0 =	sadd.s32 @!p0 $0x100000, s1;
	[bflag:$0x2] =	sbarrier.arrive $0xFFFF  }
0x62: {  	[sflag:s0] =	ssyncadd.tile.s32 @!p0 $0x1;
	_ =	shalt  }
.Lfunc_end1:
_tile_overlayer_lowered:
.L_overlay_start_2:
0x63: {  	(tag) =	ssettag $0x2  }
0x64: {  	s0 =	rddreg [dreg:$0x0];
	s2 =	stileid.u32  }
0x65: {  	s1 =	rddreg [dreg:$0x1];
	p0 =	sne.s32 s2, $0x0  }
0x66: {  	s3 =	rddreg [dreg:$0x2];
	[bflag:$0x3] =	sbarrier.arrive $0xFFFF;
	s2 =	simm.s32 @!p0 $0x1C01  }
0x67: {  	[timem:s3], [sflag:s2] =	dma.local @!p0 [hbm:s0], s1  }
0x68: {  	s0 =	simm.s32 @!p0 $0x1  }
0x69: {  	_ =	swait.ge @!p0 [sflag:s0], s1  }
0x6a: {  	s1 =	ssub.s32 @!p0 $0x0, s1;
	[sflag:s0] =	ssyncset.done @!p0 $0x0  }
0x6b: {  	[sflag:s0] =	ssyncadd.s32 @!p0 s1  }
0x6c: {  	[bflag:$0x3] =	sbarrier.arrive $0xFFFF  }
0x6d: {  	_ =	shalt  }

</sc_bundles>
